<compile_context>
chip_gen: v7x
topology: tpu7x:2x2x1
jax: 0.10.2.dev20260603
libtpu: 0.0.44.dev20260713+nightly
codegen_flags: <defaults>
</compile_context>

<pallas_src>
import functools

import jax
import jax.numpy as jnp
from jax import lax
from jax.experimental import pallas as pl
from jax.experimental.pallas import tpu as pltpu
from jax.experimental.pallas import tpu_sc as plsc

KC = 1024
DD = 256
NTOK = 32 * 1024

TOK_BLK = 4096
NB = NTOK // TOK_BLK

NC, NS = 2, 16
NW = NC * NS
CH = 128
NCH = NTOK // NW // CH


def _argmin_body(xsq_ref, wsq_ref, rk_ref, x_ref, w_ref, idx_ref):
    x = x_ref[...]
    w = w_ref[...]
    mm2 = lax.dot_general(w + w, x, (((1,), (1,)), ((), ())),
                          preferred_element_type=jnp.float32)
    d = (xsq_ref[...].reshape(1, TOK_BLK) + wsq_ref[...]) - mm2
    m = jnp.min(d, axis=0, keepdims=True)
    r = jnp.max(jnp.where(d == m, rk_ref[...], -1.0), axis=0, keepdims=True)
    idx_ref[...] = (jnp.float32(KC - 1) - r).astype(jnp.int32).reshape(1, 1, TOK_BLK)


NSLAB = 1
SLAB = NTOK // NSLAB
NB_S = SLAB // TOK_BLK
NCH_S = SLAB // NW // CH


_argmin_call = pl.pallas_call(
    _argmin_body,
    grid=(NB_S,),
    in_specs=[
        pl.BlockSpec((1, 1, TOK_BLK), lambda i: (i, 0, 0)),
        pl.BlockSpec((KC, 1), lambda i: (0, 0)),
        pl.BlockSpec((KC, 1), lambda i: (0, 0)),
        pl.BlockSpec((TOK_BLK, DD), lambda i: (i, 0)),
        pl.BlockSpec((KC, DD), lambda i: (0, 0)),
    ],
    out_specs=pl.BlockSpec((1, 1, TOK_BLK), lambda i: (i, 0, 0)),
    out_shape=jax.ShapeDtypeStruct((NB_S, 1, TOK_BLK), jnp.int32),
)


@functools.lru_cache(maxsize=None)
def _make_gather():
    @functools.partial(
        pl.kernel,
        out_type=jax.ShapeDtypeStruct((SLAB, DD), jnp.float32),
        mesh=plsc.VectorSubcoreMesh(core_axis_name="c", subcore_axis_name="s"),
        scratch_types=[
            pltpu.VMEM((NCH_S, CH), jnp.int32),
            pltpu.VMEM((3, CH, DD), jnp.float32),
            pltpu.SemaphoreType.DMA,
            pltpu.SemaphoreType.DMA,
            pltpu.SemaphoreType.DMA,
            pltpu.SemaphoreType.DMA,
            pltpu.SemaphoreType.DMA,
            pltpu.SemaphoreType.DMA,
        ],
    )
    def _gather_call(idx_hbm, w_hbm, out_hbm, idx_v, ring,
                     g0, g1, g2, w0, w1, w2):
        wid = lax.axis_index("s") * NC + lax.axis_index("c")
        base = wid * (NCH_S * CH)
        gsems = (g0, g1, g2)
        wsems = (w0, w1, w2)
        pltpu.sync_copy(idx_hbm.at[wid], idx_v)
        gets = [None] * NCH_S
        puts = [None] * 3
        gets[0] = pltpu.async_copy(w_hbm.at[idx_v.at[0]], ring.at[0], gsems[0])
        if NCH_S > 1:
            gets[1] = pltpu.async_copy(w_hbm.at[idx_v.at[1]], ring.at[1], gsems[1])
        for c in range(NCH_S):
            b = c % 3
            gets[c].wait()
            puts[b] = pltpu.async_copy(ring.at[b], out_hbm.at[pl.ds(base + c * CH, CH)],
                                       wsems[b])
            if c + 2 < NCH_S:
                bn = (c + 2) % 3
                if puts[bn] is not None:
                    puts[bn].wait()
                    puts[bn] = None
                gets[c + 2] = pltpu.async_copy(w_hbm.at[idx_v.at[c + 2]], ring.at[bn],
                                               gsems[bn])
        for b in range(3):
            if puts[b] is not None:
                puts[b].wait()

    return _gather_call


def kernel(latents, W):
    shape = latents.shape
    flat = latents.reshape(-1, W.shape[1])
    xsq = jnp.sum(flat ** 2, axis=1).reshape(NSLAB, NB_S, 1, TOK_BLK)
    wsq = jnp.sum(W ** 2, axis=1)[:, None]
    rk = (jnp.float32(KC - 1) - lax.iota(jnp.float32, KC))[:, None]
    gather = _make_gather()
    idxs = [_argmin_call(xsq[s], wsq, rk, flat[s * SLAB:(s + 1) * SLAB], W)
            for s in range(NSLAB)]
    slabs = [gather(idx.reshape(NW, NCH_S, CH), W) for idx in idxs]
    return jnp.concatenate(slabs, axis=0).reshape(shape)

# --- scband reference (transcript-rebuilt; emitter-appended) ---
"""Pipeline reference for scband-vector-quantizer-10703058502201 (READ-ONLY COPY).

The authoritative reference and input builder live on the scoring server;
editing this copy changes nothing except your own understanding.
"""

import jax, jax.numpy as jnp
import numpy as np

K = 1024
D = 256

def setup_inputs(seed: int = 0) -> dict:
    key = jax.random.key(seed)
    k1, k2 = jax.random.split(key)
    latents = jax.random.normal(k1, (32, 1024, D), dtype=jnp.float32)
    W = jax.random.uniform(k2, (K, D), dtype=jnp.float32, minval=-1.0 / K, maxval=1.0 / K)
    return {"latents": latents, "W": W}

def reference(latents, W):
    latents_shape = latents.shape
    flat = latents.reshape(-1, W.shape[1])
    dist = (jnp.sum(flat ** 2, axis=1, keepdims=True)
            + jnp.sum(W ** 2, axis=1)
            - 2.0 * jnp.matmul(flat, W.T))
    encoding_inds = jnp.argmin(dist, axis=1)
    encoding_one_hot = jax.nn.one_hot(encoding_inds, W.shape[0], dtype=flat.dtype)
    quantized = jnp.matmul(encoding_one_hot, W)
    quantized = quantized.reshape(latents_shape)
    out = latents + jax.lax.stop_gradient(quantized - latents)
    return out

if __name__ == "__main__":
    import jax
    _d = setup_inputs()
    print(jax.jit(kernel)(*tuple(_d.values())))

</pallas_src>

<mosaic_0001>
#map = affine_map<(d0, d1) -> (0, 0, 0)>
#map1 = affine_map<(d0, d1) -> (0, 0)>
module attributes {stable_mosaic.version = 14 : i64} {
  func.func @_gather_call(%arg0: i32, %arg1: i32, %arg2: memref<32x8x128xi32, #tpu.memory_space<hbm>>, %arg3: memref<1024x256xf32, #tpu.memory_space<hbm>>, %arg4: memref<32768x256xf32, #tpu.memory_space<hbm>>, %arg5: memref<8x128xi32, #tpu.memory_space<vmem>>, %arg6: memref<3x128x256xf32, #tpu.memory_space<vmem>>, %arg7: memref<!tpu.dma_semaphore, #tpu.memory_space<semaphore_mem>>, %arg8: memref<!tpu.dma_semaphore, #tpu.memory_space<semaphore_mem>>, %arg9: memref<!tpu.dma_semaphore, #tpu.memory_space<semaphore_mem>>, %arg10: memref<!tpu.dma_semaphore, #tpu.memory_space<semaphore_mem>>, %arg11: memref<!tpu.dma_semaphore, #tpu.memory_space<semaphore_mem>>, %arg12: memref<!tpu.dma_semaphore, #tpu.memory_space<semaphore_mem>>) attributes {dimension_semantics = [#tpu.dimension_semantics<core_parallel>, #tpu.dimension_semantics<subcore_parallel>], iteration_bounds = array<i64: 2, 16>, scalar_prefetch = 0 : i64, scratch_operands = 8 : i64, tpu.core_type = #tpu.core_type<sc_vector_subcore>, window_params = [{transform_indices = #map}, {transform_indices = #map1}, {transform_indices = #map1}]} {
    %mul3A = arith.constant 2 : i32
    %mul3A_0 = arith.muli %arg1, %mul3A : i32
    %add3A = arith.addi %mul3A_0, %arg0 : i32
    %mul3A_1 = arith.constant 1024 : i32
    %mul3A_2 = arith.muli %add3A, %mul3A_1 : i32
    "tpu.region"() ({
      %run_scoped3A = tpu.sem_alloc : memref<!tpu.dma_semaphore, #tpu.memory_space<semaphore_mem>>
      %dma_start3A_417 = arith.constant 0 : i32
      %dma_start3A_418 = arith.constant 0 : i32
      %dma_start3A_419 = tpu.memref_slice %arg2[%add3A, %dma_start3A_417, %dma_start3A_418] : memref<32x8x128xi32, #tpu.memory_space<hbm>> -> memref<1x8x128xi32, #tpu.memory_space<hbm>>
      %dma_start3A_420 = tpu.memref_squeeze %dma_start3A_419 : memref<1x8x128xi32, #tpu.memory_space<hbm>> -> memref<8x128xi32, #tpu.memory_space<hbm>>
      %dma_start3A_421 = arith.constant 0 : i32
      %dma_start3A_422 = arith.constant 0 : i32
      %dma_start3A_423 = tpu.memref_slice %arg2[%add3A, %dma_start3A_421, %dma_start3A_422] : memref<32x8x128xi32, #tpu.memory_space<hbm>> -> memref<1x8x128xi32, #tpu.memory_space<hbm>>
      %dma_start3A_424 = tpu.memref_squeeze %dma_start3A_423 : memref<1x8x128xi32, #tpu.memory_space<hbm>> -> memref<8x128xi32, #tpu.memory_space<hbm>>
      tpu.enqueue_dma source(%dma_start3A_424 : memref<8x128xi32, #tpu.memory_space<hbm>>) target(%arg5 : memref<8x128xi32, #tpu.memory_space<vmem>>) target_semaphore(%run_scoped3A : memref<!tpu.dma_semaphore, #tpu.memory_space<semaphore_mem>>)
      %dma_wait3A_425 = arith.constant 0 : i32
      %dma_wait3A_426 = arith.constant 0 : i32
      %dma_wait3A_427 = tpu.memref_slice %arg2[%add3A, %dma_wait3A_425, %dma_wait3A_426] : memref<32x8x128xi32, #tpu.memory_space<hbm>> -> memref<1x8x128xi32, #tpu.memory_space<hbm>>
      %dma_wait3A_428 = tpu.memref_squeeze %dma_wait3A_427 : memref<1x8x128xi32, #tpu.memory_space<hbm>> -> memref<8x128xi32, #tpu.memory_space<hbm>>
      %dma_wait3A_429 = arith.constant 0 : i32
      %dma_wait3A_430 = arith.constant 0 : i32
      %dma_wait3A_431 = tpu.memref_slice %arg2[%add3A, %dma_wait3A_429, %dma_wait3A_430] : memref<32x8x128xi32, #tpu.memory_space<hbm>> -> memref<1x8x128xi32, #tpu.memory_space<hbm>>
      %dma_wait3A_432 = tpu.memref_squeeze %dma_wait3A_431 : memref<1x8x128xi32, #tpu.memory_space<hbm>> -> memref<8x128xi32, #tpu.memory_space<hbm>>
      tpu.wait_dma2 semaphore(%run_scoped3A : memref<!tpu.dma_semaphore, #tpu.memory_space<semaphore_mem>>) src(%dma_wait3A_432 : memref<8x128xi32, #tpu.memory_space<hbm>>) dst(%arg5 : memref<8x128xi32, #tpu.memory_space<vmem>>)
      tpu.yield
    }) : () -> ()
    %dma_start3A = arith.constant 0 : i32
    %dma_start3A_3 = arith.constant 0 : i32
    %dma_start3A_4 = arith.constant 0 : i32
    %dma_start3A_5 = arith.constant 0 : i32
    %dma_start3A_6 = tpu.memref_slice %arg6[%dma_start3A_3, %dma_start3A_4, %dma_start3A_5] : memref<3x128x256xf32, #tpu.memory_space<vmem>> -> memref<1x128x256xf32, #tpu.memory_space<vmem>>
    %dma_start3A_7 = tpu.memref_squeeze %dma_start3A_6 : memref<1x128x256xf32, #tpu.memory_space<vmem>> -> memref<128x256xf32, #tpu.memory_space<vmem>>
    %dma_start3A_8 = arith.constant 0 : i32
    %dma_start3A_9 = tpu.memref_slice %arg5[%dma_start3A, %dma_start3A_8] : memref<8x128xi32, #tpu.memory_space<vmem>> -> memref<1x128xi32, #tpu.memory_space<vmem>>
    %dma_start3A_10 = tpu.memref_squeeze %dma_start3A_9 : memref<1x128xi32, #tpu.memory_space<vmem>> -> memref<128xi32, #tpu.memory_space<vmem>>
    %dma_start3A_11 = arith.constant 0 : i32
    %dma_start3A_12 = arith.constant 0 : i32
    %dma_start3A_13 = tpu.memref_slice %arg3[%dma_start3A_11, %dma_start3A_12] : memref<1024x256xf32, #tpu.memory_space<hbm>> -> memref<1024x256xf32, #tpu.memory_space<hbm>>
    tpu.enqueue_indirect_dma source(%dma_start3A_13 : memref<1024x256xf32, #tpu.memory_space<hbm>>) target(%dma_start3A_7 : memref<128x256xf32, #tpu.memory_space<vmem>>) offsets(%dma_start3A_10 : memref<128xi32, #tpu.memory_space<vmem>>) semaphore(%arg7 : memref<!tpu.dma_semaphore, #tpu.memory_space<semaphore_mem>>)
    %dma_start3A_14 = arith.constant 1 : i32
    %dma_start3A_15 = arith.constant 1 : i32
    %dma_start3A_16 = arith.constant 0 : i32
    %dma_start3A_17 = arith.constant 0 : i32
    %dma_start3A_18 = tpu.memref_slice %arg6[%dma_start3A_15, %dma_start3A_16, %dma_start3A_17] : memref<3x128x256xf32, #tpu.memory_space<vmem>> -> memref<1x128x256xf32, #tpu.memory_space<vmem>>
    %dma_start3A_19 = tpu.memref_squeeze %dma_start3A_18 : memref<1x128x256xf32, #tpu.memory_space<vmem>> -> memref<128x256xf32, #tpu.memory_space<vmem>>
    %dma_start3A_20 = arith.constant 0 : i32
    %dma_start3A_21 = tpu.memref_slice %arg5[%dma_start3A_14, %dma_start3A_20] : memref<8x128xi32, #tpu.memory_space<vmem>> -> memref<1x128xi32, #tpu.memory_space<vmem>>
    %dma_start3A_22 = tpu.memref_squeeze %dma_start3A_21 : memref<1x128xi32, #tpu.memory_space<vmem>> -> memref<128xi32, #tpu.memory_space<vmem>>
    %dma_start3A_23 = arith.constant 0 : i32
    %dma_start3A_24 = arith.constant 0 : i32
    %dma_start3A_25 = tpu.memref_slice %arg3[%dma_start3A_23, %dma_start3A_24] : memref<1024x256xf32, #tpu.memory_space<hbm>> -> memref<1024x256xf32, #tpu.memory_space<hbm>>
    tpu.enqueue_indirect_dma source(%dma_start3A_25 : memref<1024x256xf32, #tpu.memory_space<hbm>>) target(%dma_start3A_19 : memref<128x256xf32, #tpu.memory_space<vmem>>) offsets(%dma_start3A_22 : memref<128xi32, #tpu.memory_space<vmem>>) semaphore(%arg8 : memref<!tpu.dma_semaphore, #tpu.memory_space<semaphore_mem>>)
    %dma_wait3A = arith.constant 0 : i32
    %dma_wait3A_26 = arith.constant 0 : i32
    %dma_wait3A_27 = arith.constant 0 : i32
    %dma_wait3A_28 = arith.constant 0 : i32
    %dma_wait3A_29 = tpu.memref_slice %arg6[%dma_wait3A_26, %dma_wait3A_27, %dma_wait3A_28] : memref<3x128x256xf32, #tpu.memory_space<vmem>> -> memref<1x128x256xf32, #tpu.memory_space<vmem>>
    %dma_wait3A_30 = tpu.memref_squeeze %dma_wait3A_29 : memref<1x128x256xf32, #tpu.memory_space<vmem>> -> memref<128x256xf32, #tpu.memory_space<vmem>>
    %dma_wait3A_31 = arith.constant 0 : i32
    %dma_wait3A_32 = tpu.memref_slice %arg5[%dma_wait3A, %dma_wait3A_31] : memref<8x128xi32, #tpu.memory_space<vmem>> -> memref<1x128xi32, #tpu.memory_space<vmem>>
    %dma_wait3A_33 = tpu.memref_squeeze %dma_wait3A_32 : memref<1x128xi32, #tpu.memory_space<vmem>> -> memref<128xi32, #tpu.memory_space<vmem>>
    %dma_wait3A_34 = arith.constant 0 : i32
    %dma_wait3A_35 = arith.constant 0 : i32
    %dma_wait3A_36 = tpu.memref_slice %arg3[%dma_wait3A_34, %dma_wait3A_35] : memref<1024x256xf32, #tpu.memory_space<hbm>> -> memref<1024x256xf32, #tpu.memory_space<hbm>>
    tpu.wait_indirect_dma semaphore(%arg7 : memref<!tpu.dma_semaphore, #tpu.memory_space<semaphore_mem>>) src(%dma_wait3A_36 : memref<1024x256xf32, #tpu.memory_space<hbm>>) dst(%dma_wait3A_30 : memref<128x256xf32, #tpu.memory_space<vmem>>)
    %add3A_37 = arith.constant 0 : i32
    %add3A_38 = arith.addi %mul3A_2, %add3A_37 : i32
    %dma_start3A_39 = arith.constant 0 : i32
    %dma_start3A_40 = arith.constant 0 : i32
    %dma_start3A_41 = arith.constant 0 : i32
    %dma_start3A_42 = tpu.memref_slice %arg6[%dma_start3A_39, %dma_start3A_40, %dma_start3A_41] : memref<3x128x256xf32, #tpu.memory_space<vmem>> -> memref<1x128x256xf32, #tpu.memory_space<vmem>>
    %dma_start3A_43 = tpu.memref_squeeze %dma_start3A_42 : memref<1x128x256xf32, #tpu.memory_space<vmem>> -> memref<128x256xf32, #tpu.memory_space<vmem>>
    %dma_start3A_44 = arith.constant 0 : i32
    %dma_start3A_45 = tpu.memref_slice %arg4[%add3A_38, %dma_start3A_44] : memref<32768x256xf32, #tpu.memory_space<hbm>> -> memref<128x256xf32, #tpu.memory_space<hbm>>
    %dma_start3A_46 = arith.constant 0 : i32
    %dma_start3A_47 = tpu.memref_slice %arg4[%add3A_38, %dma_start3A_46] : memref<32768x256xf32, #tpu.memory_space<hbm>> -> memref<128x256xf32, #tpu.memory_space<hbm>>
    %dma_start3A_48 = arith.constant 0 : i32
    %dma_start3A_49 = arith.constant 0 : i32
    %dma_start3A_50 = tpu.memref_slice %arg6[%dma_start3A_39, %dma_start3A_48, %dma_start3A_49] : memref<3x128x256xf32, #tpu.memory_space<vmem>> -> memref<1x128x256xf32, #tpu.memory_space<vmem>>
    %dma_start3A_51 = tpu.memref_squeeze %dma_start3A_50 : memref<1x128x256xf32, #tpu.memory_space<vmem>> -> memref<128x256xf32, #tpu.memory_space<vmem>>
    tpu.enqueue_dma source(%dma_start3A_51 : memref<128x256xf32, #tpu.memory_space<vmem>>) target(%dma_start3A_47 : memref<128x256xf32, #tpu.memory_space<hbm>>) target_semaphore(%arg10 : memref<!tpu.dma_semaphore, #tpu.memory_space<semaphore_mem>>)
    %dma_start3A_52 = arith.constant 2 : i32
    %dma_start3A_53 = arith.constant 2 : i32
    %dma_start3A_54 = arith.constant 0 : i32
    %dma_start3A_55 = arith.constant 0 : i32
    %dma_start3A_56 = tpu.memref_slice %arg6[%dma_start3A_53, %dma_start3A_54, %dma_start3A_55] : memref<3x128x256xf32, #tpu.memory_space<vmem>> -> memref<1x128x256xf32, #tpu.memory_space<vmem>>
    %dma_start3A_57 = tpu.memref_squeeze %dma_start3A_56 : memref<1x128x256xf32, #tpu.memory_space<vmem>> -> memref<128x256xf32, #tpu.memory_space<vmem>>
    %dma_start3A_58 = arith.constant 0 : i32
    %dma_start3A_59 = tpu.memref_slice %arg5[%dma_start3A_52, %dma_start3A_58] : memref<8x128xi32, #tpu.memory_space<vmem>> -> memref<1x128xi32, #tpu.memory_space<vmem>>
    %dma_start3A_60 = tpu.memref_squeeze %dma_start3A_59 : memref<1x128xi32, #tpu.memory_space<vmem>> -> memref<128xi32, #tpu.memory_space<vmem>>
    %dma_start3A_61 = arith.constant 0 : i32
    %dma_start3A_62 = arith.constant 0 : i32
    %dma_start3A_63 = tpu.memref_slice %arg3[%dma_start3A_61, %dma_start3A_62] : memref<1024x256xf32, #tpu.memory_space<hbm>> -> memref<1024x256xf32, #tpu.memory_space<hbm>>
    tpu.enqueue_indirect_dma source(%dma_start3A_63 : memref<1024x256xf32, #tpu.memory_space<hbm>>) target(%dma_start3A_57 : memref<128x256xf32, #tpu.memory_space<vmem>>) offsets(%dma_start3A_60 : memref<128xi32, #tpu.memory_space<vmem>>) semaphore(%arg9 : memref<!tpu.dma_semaphore, #tpu.memory_space<semaphore_mem>>)
    %dma_wait3A_64 = arith.constant 1 : i32
    %dma_wait3A_65 = arith.constant 1 : i32
    %dma_wait3A_66 = arith.constant 0 : i32
    %dma_wait3A_67 = arith.constant 0 : i32
    %dma_wait3A_68 = tpu.memref_slice %arg6[%dma_wait3A_65, %dma_wait3A_66, %dma_wait3A_67] : memref<3x128x256xf32, #tpu.memory_space<vmem>> -> memref<1x128x256xf32, #tpu.memory_space<vmem>>
    %dma_wait3A_69 = tpu.memref_squeeze %dma_wait3A_68 : memref<1x128x256xf32, #tpu.memory_space<vmem>> -> memref<128x256xf32, #tpu.memory_space<vmem>>
    %dma_wait3A_70 = arith.constant 0 : i32
    %dma_wait3A_71 = tpu.memref_slice %arg5[%dma_wait3A_64, %dma_wait3A_70] : memref<8x128xi32, #tpu.memory_space<vmem>> -> memref<1x128xi32, #tpu.memory_space<vmem>>
    %dma_wait3A_72 = tpu.memref_squeeze %dma_wait3A_71 : memref<1x128xi32, #tpu.memory_space<vmem>> -> memref<128xi32, #tpu.memory_space<vmem>>
    %dma_wait3A_73 = arith.constant 0 : i32
    %dma_wait3A_74 = arith.constant 0 : i32
    %dma_wait3A_75 = tpu.memref_slice %arg3[%dma_wait3A_73, %dma_wait3A_74] : memref<1024x256xf32, #tpu.memory_space<hbm>> -> memref<1024x256xf32, #tpu.memory_space<hbm>>
    tpu.wait_indirect_dma semaphore(%arg8 : memref<!tpu.dma_semaphore, #tpu.memory_space<semaphore_mem>>) src(%dma_wait3A_75 : memref<1024x256xf32, #tpu.memory_space<hbm>>) dst(%dma_wait3A_69 : memref<128x256xf32, #tpu.memory_space<vmem>>)
    %add3A_76 = arith.constant 128 : i32
    %add3A_77 = arith.addi %mul3A_2, %add3A_76 : i32
    %dma_start3A_78 = arith.constant 1 : i32
    %dma_start3A_79 = arith.constant 0 : i32
    %dma_start3A_80 = arith.constant 0 : i32
    %dma_start3A_81 = tpu.memref_slice %arg6[%dma_start3A_78, %dma_start3A_79, %dma_start3A_80] : memref<3x128x256xf32, #tpu.memory_space<vmem>> -> memref<1x128x256xf32, #tpu.memory_space<vmem>>
    %dma_start3A_82 = tpu.memref_squeeze %dma_start3A_81 : memref<1x128x256xf32, #tpu.memory_space<vmem>> -> memref<128x256xf32, #tpu.memory_space<vmem>>
    %dma_start3A_83 = arith.constant 0 : i32
    %dma_start3A_84 = tpu.memref_slice %arg4[%add3A_77, %dma_start3A_83] : memref<32768x256xf32, #tpu.memory_space<hbm>> -> memref<128x256xf32, #tpu.memory_space<hbm>>
    %dma_start3A_85 = arith.constant 0 : i32
    %dma_start3A_86 = tpu.memref_slice %arg4[%add3A_77, %dma_start3A_85] : memref<32768x256xf32, #tpu.memory_space<hbm>> -> memref<128x256xf32, #tpu.memory_space<hbm>>
    %dma_start3A_87 = arith.constant 0 : i32
    %dma_start3A_88 = arith.constant 0 : i32
    %dma_start3A_89 = tpu.memref_slice %arg6[%dma_start3A_78, %dma_start3A_87, %dma_start3A_88] : memref<3x128x256xf32, #tpu.memory_space<vmem>> -> memref<1x128x256xf32, #tpu.memory_space<vmem>>
    %dma_start3A_90 = tpu.memref_squeeze %dma_start3A_89 : memref<1x128x256xf32, #tpu.memory_space<vmem>> -> memref<128x256xf32, #tpu.memory_space<vmem>>
    tpu.enqueue_dma source(%dma_start3A_90 : memref<128x256xf32, #tpu.memory_space<vmem>>) target(%dma_start3A_86 : memref<128x256xf32, #tpu.memory_space<hbm>>) target_semaphore(%arg11 : memref<!tpu.dma_semaphore, #tpu.memory_space<semaphore_mem>>)
    %dma_wait3A_91 = arith.constant 0 : i32
    %dma_wait3A_92 = arith.constant 0 : i32
    %dma_wait3A_93 = arith.constant 0 : i32
    %dma_wait3A_94 = tpu.memref_slice %arg6[%dma_wait3A_91, %dma_wait3A_92, %dma_wait3A_93] : memref<3x128x256xf32, #tpu.memory_space<vmem>> -> memref<1x128x256xf32, #tpu.memory_space<vmem>>
    %dma_wait3A_95 = tpu.memref_squeeze %dma_wait3A_94 : memref<1x128x256xf32, #tpu.memory_space<vmem>> -> memref<128x256xf32, #tpu.memory_space<vmem>>
    %dma_wait3A_96 = arith.constant 0 : i32
    %dma_wait3A_97 = tpu.memref_slice %arg4[%add3A_38, %dma_wait3A_96] : memref<32768x256xf32, #tpu.memory_space<hbm>> -> memref<128x256xf32, #tpu.memory_space<hbm>>
    %dma_wait3A_98 = arith.constant 0 : i32
    %dma_wait3A_99 = tpu.memref_slice %arg4[%add3A_38, %dma_wait3A_98] : memref<32768x256xf32, #tpu.memory_space<hbm>> -> memref<128x256xf32, #tpu.memory_space<hbm>>
    %dma_wait3A_100 = arith.constant 0 : i32
    %dma_wait3A_101 = arith.constant 0 : i32
    %dma_wait3A_102 = tpu.memref_slice %arg6[%dma_wait3A_91, %dma_wait3A_100, %dma_wait3A_101] : memref<3x128x256xf32, #tpu.memory_space<vmem>> -> memref<1x128x256xf32, #tpu.memory_space<vmem>>
    %dma_wait3A_103 = tpu.memref_squeeze %dma_wait3A_102 : memref<1x128x256xf32, #tpu.memory_space<vmem>> -> memref<128x256xf32, #tpu.memory_space<vmem>>
    tpu.wait_dma2 semaphore(%arg10 : memref<!tpu.dma_semaphore, #tpu.memory_space<semaphore_mem>>) src(%dma_wait3A_103 : memref<128x256xf32, #tpu.memory_space<vmem>>) dst(%dma_wait3A_99 : memref<128x256xf32, #tpu.memory_space<hbm>>)
    %dma_start3A_104 = arith.constant 3 : i32
    %dma_start3A_105 = arith.constant 0 : i32
    %dma_start3A_106 = arith.constant 0 : i32
    %dma_start3A_107 = arith.constant 0 : i32
    %dma_start3A_108 = tpu.memref_slice %arg6[%dma_start3A_105, %dma_start3A_106, %dma_start3A_107] : memref<3x128x256xf32, #tpu.memory_space<vmem>> -> memref<1x128x256xf32, #tpu.memory_space<vmem>>
    %dma_start3A_109 = tpu.memref_squeeze %dma_start3A_108 : memref<1x128x256xf32, #tpu.memory_space<vmem>> -> memref<128x256xf32, #tpu.memory_space<vmem>>
    %dma_start3A_110 = arith.constant 0 : i32
    %dma_start3A_111 = tpu.memref_slice %arg5[%dma_start3A_104, %dma_start3A_110] : memref<8x128xi32, #tpu.memory_space<vmem>> -> memref<1x128xi32, #tpu.memory_space<vmem>>
    %dma_start3A_112 = tpu.memref_squeeze %dma_start3A_111 : memref<1x128xi32, #tpu.memory_space<vmem>> -> memref<128xi32, #tpu.memory_space<vmem>>
    %dma_start3A_113 = arith.constant 0 : i32
    %dma_start3A_114 = arith.constant 0 : i32
    %dma_start3A_115 = tpu.memref_slice %arg3[%dma_start3A_113, %dma_start3A_114] : memref<1024x256xf32, #tpu.memory_space<hbm>> -> memref<1024x256xf32, #tpu.memory_space<hbm>>
    tpu.enqueue_indirect_dma source(%dma_start3A_115 : memref<1024x256xf32, #tpu.memory_space<hbm>>) target(%dma_start3A_109 : memref<128x256xf32, #tpu.memory_space<vmem>>) offsets(%dma_start3A_112 : memref<128xi32, #tpu.memory_space<vmem>>) semaphore(%arg7 : memref<!tpu.dma_semaphore, #tpu.memory_space<semaphore_mem>>)
    %dma_wait3A_116 = arith.constant 2 : i32
    %dma_wait3A_117 = arith.constant 2 : i32
    %dma_wait3A_118 = arith.constant 0 : i32
    %dma_wait3A_119 = arith.constant 0 : i32
    %dma_wait3A_120 = tpu.memref_slice %arg6[%dma_wait3A_117, %dma_wait3A_118, %dma_wait3A_119] : memref<3x128x256xf32, #tpu.memory_space<vmem>> -> memref<1x128x256xf32, #tpu.memory_space<vmem>>
    %dma_wait3A_121 = tpu.memref_squeeze %dma_wait3A_120 : memref<1x128x256xf32, #tpu.memory_space<vmem>> -> memref<128x256xf32, #tpu.memory_space<vmem>>
    %dma_wait3A_122 = arith.constant 0 : i32
    %dma_wait3A_123 = tpu.memref_slice %arg5[%dma_wait3A_116, %dma_wait3A_122] : memref<8x128xi32, #tpu.memory_space<vmem>> -> memref<1x128xi32, #tpu.memory_space<vmem>>
    %dma_wait3A_124 = tpu.memref_squeeze %dma_wait3A_123 : memref<1x128xi32, #tpu.memory_space<vmem>> -> memref<128xi32, #tpu.memory_space<vmem>>
    %dma_wait3A_125 = arith.constant 0 : i32
    %dma_wait3A_126 = arith.constant 0 : i32
    %dma_wait3A_127 = tpu.memref_slice %arg3[%dma_wait3A_125, %dma_wait3A_126] : memref<1024x256xf32, #tpu.memory_space<hbm>> -> memref<1024x256xf32, #tpu.memory_space<hbm>>
    tpu.wait_indirect_dma semaphore(%arg9 : memref<!tpu.dma_semaphore, #tpu.memory_space<semaphore_mem>>) src(%dma_wait3A_127 : memref<1024x256xf32, #tpu.memory_space<hbm>>) dst(%dma_wait3A_121 : memref<128x256xf32, #tpu.memory_space<vmem>>)
    %add3A_128 = arith.constant 256 : i32
    %add3A_129 = arith.addi %mul3A_2, %add3A_128 : i32
    %dma_start3A_130 = arith.constant 2 : i32
    %dma_start3A_131 = arith.constant 0 : i32
    %dma_start3A_132 = arith.constant 0 : i32
    %dma_start3A_133 = tpu.memref_slice %arg6[%dma_start3A_130, %dma_start3A_131, %dma_start3A_132] : memref<3x128x256xf32, #tpu.memory_space<vmem>> -> memref<1x128x256xf32, #tpu.memory_space<vmem>>
    %dma_start3A_134 = tpu.memref_squeeze %dma_start3A_133 : memref<1x128x256xf32, #tpu.memory_space<vmem>> -> memref<128x256xf32, #tpu.memory_space<vmem>>
    %dma_start3A_135 = arith.constant 0 : i32
    %dma_start3A_136 = tpu.memref_slice %arg4[%add3A_129, %dma_start3A_135] : memref<32768x256xf32, #tpu.memory_space<hbm>> -> memref<128x256xf32, #tpu.memory_space<hbm>>
    %dma_start3A_137 = arith.constant 0 : i32
    %dma_start3A_138 = tpu.memref_slice %arg4[%add3A_129, %dma_start3A_137] : memref<32768x256xf32, #tpu.memory_space<hbm>> -> memref<128x256xf32, #tpu.memory_space<hbm>>
    %dma_start3A_139 = arith.constant 0 : i32
    %dma_start3A_140 = arith.constant 0 : i32
    %dma_start3A_141 = tpu.memref_slice %arg6[%dma_start3A_130, %dma_start3A_139, %dma_start3A_140] : memref<3x128x256xf32, #tpu.memory_space<vmem>> -> memref<1x128x256xf32, #tpu.memory_space<vmem>>
    %dma_start3A_142 = tpu.memref_squeeze %dma_start3A_141 : memref<1x128x256xf32, #tpu.memory_space<vmem>> -> memref<128x256xf32, #tpu.memory_space<vmem>>
    tpu.enqueue_dma source(%dma_start3A_142 : memref<128x256xf32, #tpu.memory_space<vmem>>) target(%dma_start3A_138 : memref<128x256xf32, #tpu.memory_space<hbm>>) target_semaphore(%arg12 : memref<!tpu.dma_semaphore, #tpu.memory_space<semaphore_mem>>)
    %dma_wait3A_143 = arith.constant 1 : i32
    %dma_wait3A_144 = arith.constant 0 : i32
    %dma_wait3A_145 = arith.constant 0 : i32
    %dma_wait3A_146 = tpu.memref_slice %arg6[%dma_wait3A_143, %dma_wait3A_144, %dma_wait3A_145] : memref<3x128x256xf32, #tpu.memory_space<vmem>> -> memref<1x128x256xf32, #tpu.memory_space<vmem>>
    %dma_wait3A_147 = tpu.memref_squeeze %dma_wait3A_146 : memref<1x128x256xf32, #tpu.memory_space<vmem>> -> memref<128x256xf32, #tpu.memory_space<vmem>>
    %dma_wait3A_148 = arith.constant 0 : i32
    %dma_wait3A_149 = tpu.memref_slice %arg4[%add3A_77, %dma_wait3A_148] : memref<32768x256xf32, #tpu.memory_space<hbm>> -> memref<128x256xf32, #tpu.memory_space<hbm>>
    %dma_wait3A_150 = arith.constant 0 : i32
    %dma_wait3A_151 = tpu.memref_slice %arg4[%add3A_77, %dma_wait3A_150] : memref<32768x256xf32, #tpu.memory_space<hbm>> -> memref<128x256xf32, #tpu.memory_space<hbm>>
    %dma_wait3A_152 = arith.constant 0 : i32
    %dma_wait3A_153 = arith.constant 0 : i32
    %dma_wait3A_154 = tpu.memref_slice %arg6[%dma_wait3A_143, %dma_wait3A_152, %dma_wait3A_153] : memref<3x128x256xf32, #tpu.memory_space<vmem>> -> memref<1x128x256xf32, #tpu.memory_space<vmem>>
    %dma_wait3A_155 = tpu.memref_squeeze %dma_wait3A_154 : memref<1x128x256xf32, #tpu.memory_space<vmem>> -> memref<128x256xf32, #tpu.memory_space<vmem>>
    tpu.wait_dma2 semaphore(%arg11 : memref<!tpu.dma_semaphore, #tpu.memory_space<semaphore_mem>>) src(%dma_wait3A_155 : memref<128x256xf32, #tpu.memory_space<vmem>>) dst(%dma_wait3A_151 : memref<128x256xf32, #tpu.memory_space<hbm>>)
    %dma_start3A_156 = arith.constant 4 : i32
    %dma_start3A_157 = arith.constant 1 : i32
    %dma_start3A_158 = arith.constant 0 : i32
    %dma_start3A_159 = arith.constant 0 : i32
    %dma_start3A_160 = tpu.memref_slice %arg6[%dma_start3A_157, %dma_start3A_158, %dma_start3A_159] : memref<3x128x256xf32, #tpu.memory_space<vmem>> -> memref<1x128x256xf32, #tpu.memory_space<vmem>>
    %dma_start3A_161 = tpu.memref_squeeze %dma_start3A_160 : memref<1x128x256xf32, #tpu.memory_space<vmem>> -> memref<128x256xf32, #tpu.memory_space<vmem>>
    %dma_start3A_162 = arith.constant 0 : i32
    %dma_start3A_163 = tpu.memref_slice %arg5[%dma_start3A_156, %dma_start3A_162] : memref<8x128xi32, #tpu.memory_space<vmem>> -> memref<1x128xi32, #tpu.memory_space<vmem>>
    %dma_start3A_164 = tpu.memref_squeeze %dma_start3A_163 : memref<1x128xi32, #tpu.memory_space<vmem>> -> memref<128xi32, #tpu.memory_space<vmem>>
    %dma_start3A_165 = arith.constant 0 : i32
    %dma_start3A_166 = arith.constant 0 : i32
    %dma_start3A_167 = tpu.memref_slice %arg3[%dma_start3A_165, %dma_start3A_166] : memref<1024x256xf32, #tpu.memory_space<hbm>> -> memref<1024x256xf32, #tpu.memory_space<hbm>>
    tpu.enqueue_indirect_dma source(%dma_start3A_167 : memref<1024x256xf32, #tpu.memory_space<hbm>>) target(%dma_start3A_161 : memref<128x256xf32, #tpu.memory_space<vmem>>) offsets(%dma_start3A_164 : memref<128xi32, #tpu.memory_space<vmem>>) semaphore(%arg8 : memref<!tpu.dma_semaphore, #tpu.memory_space<semaphore_mem>>)
    %dma_wait3A_168 = arith.constant 3 : i32
    %dma_wait3A_169 = arith.constant 0 : i32
    %dma_wait3A_170 = arith.constant 0 : i32
    %dma_wait3A_171 = arith.constant 0 : i32
    %dma_wait3A_172 = tpu.memref_slice %arg6[%dma_wait3A_169, %dma_wait3A_170, %dma_wait3A_171] : memref<3x128x256xf32, #tpu.memory_space<vmem>> -> memref<1x128x256xf32, #tpu.memory_space<vmem>>
    %dma_wait3A_173 = tpu.memref_squeeze %dma_wait3A_172 : memref<1x128x256xf32, #tpu.memory_space<vmem>> -> memref<128x256xf32, #tpu.memory_space<vmem>>
    %dma_wait3A_174 = arith.constant 0 : i32
    %dma_wait3A_175 = tpu.memref_slice %arg5[%dma_wait3A_168, %dma_wait3A_174] : memref<8x128xi32, #tpu.memory_space<vmem>> -> memref<1x128xi32, #tpu.memory_space<vmem>>
    %dma_wait3A_176 = tpu.memref_squeeze %dma_wait3A_175 : memref<1x128xi32, #tpu.memory_space<vmem>> -> memref<128xi32, #tpu.memory_space<vmem>>
    %dma_wait3A_177 = arith.constant 0 : i32
    %dma_wait3A_178 = arith.constant 0 : i32
    %dma_wait3A_179 = tpu.memref_slice %arg3[%dma_wait3A_177, %dma_wait3A_178] : memref<1024x256xf32, #tpu.memory_space<hbm>> -> memref<1024x256xf32, #tpu.memory_space<hbm>>
    tpu.wait_indirect_dma semaphore(%arg7 : memref<!tpu.dma_semaphore, #tpu.memory_space<semaphore_mem>>) src(%dma_wait3A_179 : memref<1024x256xf32, #tpu.memory_space<hbm>>) dst(%dma_wait3A_173 : memref<128x256xf32, #tpu.memory_space<vmem>>)
    %add3A_180 = arith.constant 384 : i32
    %add3A_181 = arith.addi %mul3A_2, %add3A_180 : i32
    %dma_start3A_182 = arith.constant 0 : i32
    %dma_start3A_183 = arith.constant 0 : i32
    %dma_start3A_184 = arith.constant 0 : i32
    %dma_start3A_185 = tpu.memref_slice %arg6[%dma_start3A_182, %dma_start3A_183, %dma_start3A_184] : memref<3x128x256xf32, #tpu.memory_space<vmem>> -> memref<1x128x256xf32, #tpu.memory_space<vmem>>
    %dma_start3A_186 = tpu.memref_squeeze %dma_start3A_185 : memref<1x128x256xf32, #tpu.memory_space<vmem>> -> memref<128x256xf32, #tpu.memory_space<vmem>>
    %dma_start3A_187 = arith.constant 0 : i32
    %dma_start3A_188 = tpu.memref_slice %arg4[%add3A_181, %dma_start3A_187] : memref<32768x256xf32, #tpu.memory_space<hbm>> -> memref<128x256xf32, #tpu.memory_space<hbm>>
    %dma_start3A_189 = arith.constant 0 : i32
    %dma_start3A_190 = tpu.memref_slice %arg4[%add3A_181, %dma_start3A_189] : memref<32768x256xf32, #tpu.memory_space<hbm>> -> memref<128x256xf32, #tpu.memory_space<hbm>>
    %dma_start3A_191 = arith.constant 0 : i32
    %dma_start3A_192 = arith.constant 0 : i32
    %dma_start3A_193 = tpu.memref_slice %arg6[%dma_start3A_182, %dma_start3A_191, %dma_start3A_192] : memref<3x128x256xf32, #tpu.memory_space<vmem>> -> memref<1x128x256xf32, #tpu.memory_space<vmem>>
    %dma_start3A_194 = tpu.memref_squeeze %dma_start3A_193 : memref<1x128x256xf32, #tpu.memory_space<vmem>> -> memref<128x256xf32, #tpu.memory_space<vmem>>
    tpu.enqueue_dma source(%dma_start3A_194 : memref<128x256xf32, #tpu.memory_space<vmem>>) target(%dma_start3A_190 : memref<128x256xf32, #tpu.memory_space<hbm>>) target_semaphore(%arg10 : memref<!tpu.dma_semaphore, #tpu.memory_space<semaphore_mem>>)
    %dma_wait3A_195 = arith.constant 2 : i32
    %dma_wait3A_196 = arith.constant 0 : i32
    %dma_wait3A_197 = arith.constant 0 : i32
    %dma_wait3A_198 = tpu.memref_slice %arg6[%dma_wait3A_195, %dma_wait3A_196, %dma_wait3A_197] : memref<3x128x256xf32, #tpu.memory_space<vmem>> -> memref<1x128x256xf32, #tpu.memory_space<vmem>>
    %dma_wait3A_199 = tpu.memref_squeeze %dma_wait3A_198 : memref<1x128x256xf32, #tpu.memory_space<vmem>> -> memref<128x256xf32, #tpu.memory_space<vmem>>
    %dma_wait3A_200 = arith.constant 0 : i32
    %dma_wait3A_201 = tpu.memref_slice %arg4[%add3A_129, %dma_wait3A_200] : memref<32768x256xf32, #tpu.memory_space<hbm>> -> memref<128x256xf32, #tpu.memory_space<hbm>>
    %dma_wait3A_202 = arith.constant 0 : i32
    %dma_wait3A_203 = tpu.memref_slice %arg4[%add3A_129, %dma_wait3A_202] : memref<32768x256xf32, #tpu.memory_space<hbm>> -> memref<128x256xf32, #tpu.memory_space<hbm>>
    %dma_wait3A_204 = arith.constant 0 : i32
    %dma_wait3A_205 = arith.constant 0 : i32
    %dma_wait3A_206 = tpu.memref_slice %arg6[%dma_wait3A_195, %dma_wait3A_204, %dma_wait3A_205] : memref<3x128x256xf32, #tpu.memory_space<vmem>> -> memref<1x128x256xf32, #tpu.memory_space<vmem>>
    %dma_wait3A_207 = tpu.memref_squeeze %dma_wait3A_206 : memref<1x128x256xf32, #tpu.memory_space<vmem>> -> memref<128x256xf32, #tpu.memory_space<vmem>>
    tpu.wait_dma2 semaphore(%arg12 : memref<!tpu.dma_semaphore, #tpu.memory_space<semaphore_mem>>) src(%dma_wait3A_207 : memref<128x256xf32, #tpu.memory_space<vmem>>) dst(%dma_wait3A_203 : memref<128x256xf32, #tpu.memory_space<hbm>>)
    %dma_start3A_208 = arith.constant 5 : i32
    %dma_start3A_209 = arith.constant 2 : i32
    %dma_start3A_210 = arith.constant 0 : i32
    %dma_start3A_211 = arith.constant 0 : i32
    %dma_start3A_212 = tpu.memref_slice %arg6[%dma_start3A_209, %dma_start3A_210, %dma_start3A_211] : memref<3x128x256xf32, #tpu.memory_space<vmem>> -> memref<1x128x256xf32, #tpu.memory_space<vmem>>
    %dma_start3A_213 = tpu.memref_squeeze %dma_start3A_212 : memref<1x128x256xf32, #tpu.memory_space<vmem>> -> memref<128x256xf32, #tpu.memory_space<vmem>>
    %dma_start3A_214 = arith.constant 0 : i32
    %dma_start3A_215 = tpu.memref_slice %arg5[%dma_start3A_208, %dma_start3A_214] : memref<8x128xi32, #tpu.memory_space<vmem>> -> memref<1x128xi32, #tpu.memory_space<vmem>>
    %dma_start3A_216 = tpu.memref_squeeze %dma_start3A_215 : memref<1x128xi32, #tpu.memory_space<vmem>> -> memref<128xi32, #tpu.memory_space<vmem>>
    %dma_start3A_217 = arith.constant 0 : i32
    %dma_start3A_218 = arith.constant 0 : i32
    %dma_start3A_219 = tpu.memref_slice %arg3[%dma_start3A_217, %dma_start3A_218] : memref<1024x256xf32, #tpu.memory_space<hbm>> -> memref<1024x256xf32, #tpu.memory_space<hbm>>
    tpu.enqueue_indirect_dma source(%dma_start3A_219 : memref<1024x256xf32, #tpu.memory_space<hbm>>) target(%dma_start3A_213 : memref<128x256xf32, #tpu.memory_space<vmem>>) offsets(%dma_start3A_216 : memref<128xi32, #tpu.memory_space<vmem>>) semaphore(%arg9 : memref<!tpu.dma_semaphore, #tpu.memory_space<semaphore_mem>>)
    %dma_wait3A_220 = arith.constant 4 : i32
    %dma_wait3A_221 = arith.constant 1 : i32
    %dma_wait3A_222 = arith.constant 0 : i32
    %dma_wait3A_223 = arith.constant 0 : i32
    %dma_wait3A_224 = tpu.memref_slice %arg6[%dma_wait3A_221, %dma_wait3A_222, %dma_wait3A_223] : memref<3x128x256xf32, #tpu.memory_space<vmem>> -> memref<1x128x256xf32, #tpu.memory_space<vmem>>
    %dma_wait3A_225 = tpu.memref_squeeze %dma_wait3A_224 : memref<1x128x256xf32, #tpu.memory_space<vmem>> -> memref<128x256xf32, #tpu.memory_space<vmem>>
    %dma_wait3A_226 = arith.constant 0 : i32
    %dma_wait3A_227 = tpu.memref_slice %arg5[%dma_wait3A_220, %dma_wait3A_226] : memref<8x128xi32, #tpu.memory_space<vmem>> -> memref<1x128xi32, #tpu.memory_space<vmem>>
    %dma_wait3A_228 = tpu.memref_squeeze %dma_wait3A_227 : memref<1x128xi32, #tpu.memory_space<vmem>> -> memref<128xi32, #tpu.memory_space<vmem>>
    %dma_wait3A_229 = arith.constant 0 : i32
    %dma_wait3A_230 = arith.constant 0 : i32
    %dma_wait3A_231 = tpu.memref_slice %arg3[%dma_wait3A_229, %dma_wait3A_230] : memref<1024x256xf32, #tpu.memory_space<hbm>> -> memref<1024x256xf32, #tpu.memory_space<hbm>>
    tpu.wait_indirect_dma semaphore(%arg8 : memref<!tpu.dma_semaphore, #tpu.memory_space<semaphore_mem>>) src(%dma_wait3A_231 : memref<1024x256xf32, #tpu.memory_space<hbm>>) dst(%dma_wait3A_225 : memref<128x256xf32, #tpu.memory_space<vmem>>)
    %add3A_232 = arith.constant 512 : i32
    %add3A_233 = arith.addi %mul3A_2, %add3A_232 : i32
    %dma_start3A_234 = arith.constant 1 : i32
    %dma_start3A_235 = arith.constant 0 : i32
    %dma_start3A_236 = arith.constant 0 : i32
    %dma_start3A_237 = tpu.memref_slice %arg6[%dma_start3A_234, %dma_start3A_235, %dma_start3A_236] : memref<3x128x256xf32, #tpu.memory_space<vmem>> -> memref<1x128x256xf32, #tpu.memory_space<vmem>>
    %dma_start3A_238 = tpu.memref_squeeze %dma_start3A_237 : memref<1x128x256xf32, #tpu.memory_space<vmem>> -> memref<128x256xf32, #tpu.memory_space<vmem>>
    %dma_start3A_239 = arith.constant 0 : i32
    %dma_start3A_240 = tpu.memref_slice %arg4[%add3A_233, %dma_start3A_239] : memref<32768x256xf32, #tpu.memory_space<hbm>> -> memref<128x256xf32, #tpu.memory_space<hbm>>
    %dma_start3A_241 = arith.constant 0 : i32
    %dma_start3A_242 = tpu.memref_slice %arg4[%add3A_233, %dma_start3A_241] : memref<32768x256xf32, #tpu.memory_space<hbm>> -> memref<128x256xf32, #tpu.memory_space<hbm>>
    %dma_start3A_243 = arith.constant 0 : i32
    %dma_start3A_244 = arith.constant 0 : i32
    %dma_start3A_245 = tpu.memref_slice %arg6[%dma_start3A_234, %dma_start3A_243, %dma_start3A_244] : memref<3x128x256xf32, #tpu.memory_space<vmem>> -> memref<1x128x256xf32, #tpu.memory_space<vmem>>
    %dma_start3A_246 = tpu.memref_squeeze %dma_start3A_245 : memref<1x128x256xf32, #tpu.memory_space<vmem>> -> memref<128x256xf32, #tpu.memory_space<vmem>>
    tpu.enqueue_dma source(%dma_start3A_246 : memref<128x256xf32, #tpu.memory_space<vmem>>) target(%dma_start3A_242 : memref<128x256xf32, #tpu.memory_space<hbm>>) target_semaphore(%arg11 : memref<!tpu.dma_semaphore, #tpu.memory_space<semaphore_mem>>)
    %dma_wait3A_247 = arith.constant 0 : i32
    %dma_wait3A_248 = arith.constant 0 : i32
    %dma_wait3A_249 = arith.constant 0 : i32
    %dma_wait3A_250 = tpu.memref_slice %arg6[%dma_wait3A_247, %dma_wait3A_248, %dma_wait3A_249] : memref<3x128x256xf32, #tpu.memory_space<vmem>> -> memref<1x128x256xf32, #tpu.memory_space<vmem>>
    %dma_wait3A_251 = tpu.memref_squeeze %dma_wait3A_250 : memref<1x128x256xf32, #tpu.memory_space<vmem>> -> memref<128x256xf32, #tpu.memory_space<vmem>>
    %dma_wait3A_252 = arith.constant 0 : i32
    %dma_wait3A_253 = tpu.memref_slice %arg4[%add3A_181, %dma_wait3A_252] : memref<32768x256xf32, #tpu.memory_space<hbm>> -> memref<128x256xf32, #tpu.memory_space<hbm>>
    %dma_wait3A_254 = arith.constant 0 : i32
    %dma_wait3A_255 = tpu.memref_slice %arg4[%add3A_181, %dma_wait3A_254] : memref<32768x256xf32, #tpu.memory_space<hbm>> -> memref<128x256xf32, #tpu.memory_space<hbm>>
    %dma_wait3A_256 = arith.constant 0 : i32
    %dma_wait3A_257 = arith.constant 0 : i32
    %dma_wait3A_258 = tpu.memref_slice %arg6[%dma_wait3A_247, %dma_wait3A_256, %dma_wait3A_257] : memref<3x128x256xf32, #tpu.memory_space<vmem>> -> memref<1x128x256xf32, #tpu.memory_space<vmem>>
    %dma_wait3A_259 = tpu.memref_squeeze %dma_wait3A_258 : memref<1x128x256xf32, #tpu.memory_space<vmem>> -> memref<128x256xf32, #tpu.memory_space<vmem>>
    tpu.wait_dma2 semaphore(%arg10 : memref<!tpu.dma_semaphore, #tpu.memory_space<semaphore_mem>>) src(%dma_wait3A_259 : memref<128x256xf32, #tpu.memory_space<vmem>>) dst(%dma_wait3A_255 : memref<128x256xf32, #tpu.memory_space<hbm>>)
    %dma_start3A_260 = arith.constant 6 : i32
    %dma_start3A_261 = arith.constant 0 : i32
    %dma_start3A_262 = arith.constant 0 : i32
    %dma_start3A_263 = arith.constant 0 : i32
    %dma_start3A_264 = tpu.memref_slice %arg6[%dma_start3A_261, %dma_start3A_262, %dma_start3A_263] : memref<3x128x256xf32, #tpu.memory_space<vmem>> -> memref<1x128x256xf32, #tpu.memory_space<vmem>>
    %dma_start3A_265 = tpu.memref_squeeze %dma_start3A_264 : memref<1x128x256xf32, #tpu.memory_space<vmem>> -> memref<128x256xf32, #tpu.memory_space<vmem>>
    %dma_start3A_266 = arith.constant 0 : i32
    %dma_start3A_267 = tpu.memref_slice %arg5[%dma_start3A_260, %dma_start3A_266] : memref<8x128xi32, #tpu.memory_space<vmem>> -> memref<1x128xi32, #tpu.memory_space<vmem>>
    %dma_start3A_268 = tpu.memref_squeeze %dma_start3A_267 : memref<1x128xi32, #tpu.memory_space<vmem>> -> memref<128xi32, #tpu.memory_space<vmem>>
    %dma_start3A_269 = arith.constant 0 : i32
    %dma_start3A_270 = arith.constant 0 : i32
    %dma_start3A_271 = tpu.memref_slice %arg3[%dma_start3A_269, %dma_start3A_270] : memref<1024x256xf32, #tpu.memory_space<hbm>> -> memref<1024x256xf32, #tpu.memory_space<hbm>>
    tpu.enqueue_indirect_dma source(%dma_start3A_271 : memref<1024x256xf32, #tpu.memory_space<hbm>>) target(%dma_start3A_265 : memref<128x256xf32, #tpu.memory_space<vmem>>) offsets(%dma_start3A_268 : memref<128xi32, #tpu.memory_space<vmem>>) semaphore(%arg7 : memref<!tpu.dma_semaphore, #tpu.memory_space<semaphore_mem>>)
    %dma_wait3A_272 = arith.constant 5 : i32
    %dma_wait3A_273 = arith.constant 2 : i32
    %dma_wait3A_274 = arith.constant 0 : i32
    %dma_wait3A_275 = arith.constant 0 : i32
    %dma_wait3A_276 = tpu.memref_slice %arg6[%dma_wait3A_273, %dma_wait3A_274, %dma_wait3A_275] : memref<3x128x256xf32, #tpu.memory_space<vmem>> -> memref<1x128x256xf32, #tpu.memory_space<vmem>>
    %dma_wait3A_277 = tpu.memref_squeeze %dma_wait3A_276 : memref<1x128x256xf32, #tpu.memory_space<vmem>> -> memref<128x256xf32, #tpu.memory_space<vmem>>
    %dma_wait3A_278 = arith.constant 0 : i32
    %dma_wait3A_279 = tpu.memref_slice %arg5[%dma_wait3A_272, %dma_wait3A_278] : memref<8x128xi32, #tpu.memory_space<vmem>> -> memref<1x128xi32, #tpu.memory_space<vmem>>
    %dma_wait3A_280 = tpu.memref_squeeze %dma_wait3A_279 : memref<1x128xi32, #tpu.memory_space<vmem>> -> memref<128xi32, #tpu.memory_space<vmem>>
    %dma_wait3A_281 = arith.constant 0 : i32
    %dma_wait3A_282 = arith.constant 0 : i32
    %dma_wait3A_283 = tpu.memref_slice %arg3[%dma_wait3A_281, %dma_wait3A_282] : memref<1024x256xf32, #tpu.memory_space<hbm>> -> memref<1024x256xf32, #tpu.memory_space<hbm>>
    tpu.wait_indirect_dma semaphore(%arg9 : memref<!tpu.dma_semaphore, #tpu.memory_space<semaphore_mem>>) src(%dma_wait3A_283 : memref<1024x256xf32, #tpu.memory_space<hbm>>) dst(%dma_wait3A_277 : memref<128x256xf32, #tpu.memory_space<vmem>>)
    %add3A_284 = arith.constant 640 : i32
    %add3A_285 = arith.addi %mul3A_2, %add3A_284 : i32
    %dma_start3A_286 = arith.constant 2 : i32
    %dma_start3A_287 = arith.constant 0 : i32
    %dma_start3A_288 = arith.constant 0 : i32
    %dma_start3A_289 = tpu.memref_slice %arg6[%dma_start3A_286, %dma_start3A_287, %dma_start3A_288] : memref<3x128x256xf32, #tpu.memory_space<vmem>> -> memref<1x128x256xf32, #tpu.memory_space<vmem>>
    %dma_start3A_290 = tpu.memref_squeeze %dma_start3A_289 : memref<1x128x256xf32, #tpu.memory_space<vmem>> -> memref<128x256xf32, #tpu.memory_space<vmem>>
    %dma_start3A_291 = arith.constant 0 : i32
    %dma_start3A_292 = tpu.memref_slice %arg4[%add3A_285, %dma_start3A_291] : memref<32768x256xf32, #tpu.memory_space<hbm>> -> memref<128x256xf32, #tpu.memory_space<hbm>>
    %dma_start3A_293 = arith.constant 0 : i32
    %dma_start3A_294 = tpu.memref_slice %arg4[%add3A_285, %dma_start3A_293] : memref<32768x256xf32, #tpu.memory_space<hbm>> -> memref<128x256xf32, #tpu.memory_space<hbm>>
    %dma_start3A_295 = arith.constant 0 : i32
    %dma_start3A_296 = arith.constant 0 : i32
    %dma_start3A_297 = tpu.memref_slice %arg6[%dma_start3A_286, %dma_start3A_295, %dma_start3A_296] : memref<3x128x256xf32, #tpu.memory_space<vmem>> -> memref<1x128x256xf32, #tpu.memory_space<vmem>>
    %dma_start3A_298 = tpu.memref_squeeze %dma_start3A_297 : memref<1x128x256xf32, #tpu.memory_space<vmem>> -> memref<128x256xf32, #tpu.memory_space<vmem>>
    tpu.enqueue_dma source(%dma_start3A_298 : memref<128x256xf32, #tpu.memory_space<vmem>>) target(%dma_start3A_294 : memref<128x256xf32, #tpu.memory_space<hbm>>) target_semaphore(%arg12 : memref<!tpu.dma_semaphore, #tpu.memory_space<semaphore_mem>>)
    %dma_wait3A_299 = arith.constant 1 : i32
    %dma_wait3A_300 = arith.constant 0 : i32
    %dma_wait3A_301 = arith.constant 0 : i32
    %dma_wait3A_302 = tpu.memref_slice %arg6[%dma_wait3A_299, %dma_wait3A_300, %dma_wait3A_301] : memref<3x128x256xf32, #tpu.memory_space<vmem>> -> memref<1x128x256xf32, #tpu.memory_space<vmem>>
    %dma_wait3A_303 = tpu.memref_squeeze %dma_wait3A_302 : memref<1x128x256xf32, #tpu.memory_space<vmem>> -> memref<128x256xf32, #tpu.memory_space<vmem>>
    %dma_wait3A_304 = arith.constant 0 : i32
    %dma_wait3A_305 = tpu.memref_slice %arg4[%add3A_233, %dma_wait3A_304] : memref<32768x256xf32, #tpu.memory_space<hbm>> -> memref<128x256xf32, #tpu.memory_space<hbm>>
    %dma_wait3A_306 = arith.constant 0 : i32
    %dma_wait3A_307 = tpu.memref_slice %arg4[%add3A_233, %dma_wait3A_306] : memref<32768x256xf32, #tpu.memory_space<hbm>> -> memref<128x256xf32, #tpu.memory_space<hbm>>
    %dma_wait3A_308 = arith.constant 0 : i32
    %dma_wait3A_309 = arith.constant 0 : i32
    %dma_wait3A_310 = tpu.memref_slice %arg6[%dma_wait3A_299, %dma_wait3A_308, %dma_wait3A_309] : memref<3x128x256xf32, #tpu.memory_space<vmem>> -> memref<1x128x256xf32, #tpu.memory_space<vmem>>
    %dma_wait3A_311 = tpu.memref_squeeze %dma_wait3A_310 : memref<1x128x256xf32, #tpu.memory_space<vmem>> -> memref<128x256xf32, #tpu.memory_space<vmem>>
    tpu.wait_dma2 semaphore(%arg11 : memref<!tpu.dma_semaphore, #tpu.memory_space<semaphore_mem>>) src(%dma_wait3A_311 : memref<128x256xf32, #tpu.memory_space<vmem>>) dst(%dma_wait3A_307 : memref<128x256xf32, #tpu.memory_space<hbm>>)
    %dma_start3A_312 = arith.constant 7 : i32
    %dma_start3A_313 = arith.constant 1 : i32
    %dma_start3A_314 = arith.constant 0 : i32
    %dma_start3A_315 = arith.constant 0 : i32
    %dma_start3A_316 = tpu.memref_slice %arg6[%dma_start3A_313, %dma_start3A_314, %dma_start3A_315] : memref<3x128x256xf32, #tpu.memory_space<vmem>> -> memref<1x128x256xf32, #tpu.memory_space<vmem>>
    %dma_start3A_317 = tpu.memref_squeeze %dma_start3A_316 : memref<1x128x256xf32, #tpu.memory_space<vmem>> -> memref<128x256xf32, #tpu.memory_space<vmem>>
    %dma_start3A_318 = arith.constant 0 : i32
    %dma_start3A_319 = tpu.memref_slice %arg5[%dma_start3A_312, %dma_start3A_318] : memref<8x128xi32, #tpu.memory_space<vmem>> -> memref<1x128xi32, #tpu.memory_space<vmem>>
    %dma_start3A_320 = tpu.memref_squeeze %dma_start3A_319 : memref<1x128xi32, #tpu.memory_space<vmem>> -> memref<128xi32, #tpu.memory_space<vmem>>
    %dma_start3A_321 = arith.constant 0 : i32
    %dma_start3A_322 = arith.constant 0 : i32
    %dma_start3A_323 = tpu.memref_slice %arg3[%dma_start3A_321, %dma_start3A_322] : memref<1024x256xf32, #tpu.memory_space<hbm>> -> memref<1024x256xf32, #tpu.memory_space<hbm>>
    tpu.enqueue_indirect_dma source(%dma_start3A_323 : memref<1024x256xf32, #tpu.memory_space<hbm>>) target(%dma_start3A_317 : memref<128x256xf32, #tpu.memory_space<vmem>>) offsets(%dma_start3A_320 : memref<128xi32, #tpu.memory_space<vmem>>) semaphore(%arg8 : memref<!tpu.dma_semaphore, #tpu.memory_space<semaphore_mem>>)
    %dma_wait3A_324 = arith.constant 6 : i32
    %dma_wait3A_325 = arith.constant 0 : i32
    %dma_wait3A_326 = arith.constant 0 : i32
    %dma_wait3A_327 = arith.constant 0 : i32
    %dma_wait3A_328 = tpu.memref_slice %arg6[%dma_wait3A_325, %dma_wait3A_326, %dma_wait3A_327] : memref<3x128x256xf32, #tpu.memory_space<vmem>> -> memref<1x128x256xf32, #tpu.memory_space<vmem>>
    %dma_wait3A_329 = tpu.memref_squeeze %dma_wait3A_328 : memref<1x128x256xf32, #tpu.memory_space<vmem>> -> memref<128x256xf32, #tpu.memory_space<vmem>>
    %dma_wait3A_330 = arith.constant 0 : i32
    %dma_wait3A_331 = tpu.memref_slice %arg5[%dma_wait3A_324, %dma_wait3A_330] : memref<8x128xi32, #tpu.memory_space<vmem>> -> memref<1x128xi32, #tpu.memory_space<vmem>>
    %dma_wait3A_332 = tpu.memref_squeeze %dma_wait3A_331 : memref<1x128xi32, #tpu.memory_space<vmem>> -> memref<128xi32, #tpu.memory_space<vmem>>
    %dma_wait3A_333 = arith.constant 0 : i32
    %dma_wait3A_334 = arith.constant 0 : i32
    %dma_wait3A_335 = tpu.memref_slice %arg3[%dma_wait3A_333, %dma_wait3A_334] : memref<1024x256xf32, #tpu.memory_space<hbm>> -> memref<1024x256xf32, #tpu.memory_space<hbm>>
    tpu.wait_indirect_dma semaphore(%arg7 : memref<!tpu.dma_semaphore, #tpu.memory_space<semaphore_mem>>) src(%dma_wait3A_335 : memref<1024x256xf32, #tpu.memory_space<hbm>>) dst(%dma_wait3A_329 : memref<128x256xf32, #tpu.memory_space<vmem>>)
    %add3A_336 = arith.constant 768 : i32
    %add3A_337 = arith.addi %mul3A_2, %add3A_336 : i32
    %dma_start3A_338 = arith.constant 0 : i32
    %dma_start3A_339 = arith.constant 0 : i32
    %dma_start3A_340 = arith.constant 0 : i32
    %dma_start3A_341 = tpu.memref_slice %arg6[%dma_start3A_338, %dma_start3A_339, %dma_start3A_340] : memref<3x128x256xf32, #tpu.memory_space<vmem>> -> memref<1x128x256xf32, #tpu.memory_space<vmem>>
    %dma_start3A_342 = tpu.memref_squeeze %dma_start3A_341 : memref<1x128x256xf32, #tpu.memory_space<vmem>> -> memref<128x256xf32, #tpu.memory_space<vmem>>
    %dma_start3A_343 = arith.constant 0 : i32
    %dma_start3A_344 = tpu.memref_slice %arg4[%add3A_337, %dma_start3A_343] : memref<32768x256xf32, #tpu.memory_space<hbm>> -> memref<128x256xf32, #tpu.memory_space<hbm>>
    %dma_start3A_345 = arith.constant 0 : i32
    %dma_start3A_346 = tpu.memref_slice %arg4[%add3A_337, %dma_start3A_345] : memref<32768x256xf32, #tpu.memory_space<hbm>> -> memref<128x256xf32, #tpu.memory_space<hbm>>
    %dma_start3A_347 = arith.constant 0 : i32
    %dma_start3A_348 = arith.constant 0 : i32
    %dma_start3A_349 = tpu.memref_slice %arg6[%dma_start3A_338, %dma_start3A_347, %dma_start3A_348] : memref<3x128x256xf32, #tpu.memory_space<vmem>> -> memref<1x128x256xf32, #tpu.memory_space<vmem>>
    %dma_start3A_350 = tpu.memref_squeeze %dma_start3A_349 : memref<1x128x256xf32, #tpu.memory_space<vmem>> -> memref<128x256xf32, #tpu.memory_space<vmem>>
    tpu.enqueue_dma source(%dma_start3A_350 : memref<128x256xf32, #tpu.memory_space<vmem>>) target(%dma_start3A_346 : memref<128x256xf32, #tpu.memory_space<hbm>>) target_semaphore(%arg10 : memref<!tpu.dma_semaphore, #tpu.memory_space<semaphore_mem>>)
    %dma_wait3A_351 = arith.constant 7 : i32
    %dma_wait3A_352 = arith.constant 1 : i32
    %dma_wait3A_353 = arith.constant 0 : i32
    %dma_wait3A_354 = arith.constant 0 : i32
    %dma_wait3A_355 = tpu.memref_slice %arg6[%dma_wait3A_352, %dma_wait3A_353, %dma_wait3A_354] : memref<3x128x256xf32, #tpu.memory_space<vmem>> -> memref<1x128x256xf32, #tpu.memory_space<vmem>>
    %dma_wait3A_356 = tpu.memref_squeeze %dma_wait3A_355 : memref<1x128x256xf32, #tpu.memory_space<vmem>> -> memref<128x256xf32, #tpu.memory_space<vmem>>
    %dma_wait3A_357 = arith.constant 0 : i32
    %dma_wait3A_358 = tpu.memref_slice %arg5[%dma_wait3A_351, %dma_wait3A_357] : memref<8x128xi32, #tpu.memory_space<vmem>> -> memref<1x128xi32, #tpu.memory_space<vmem>>
    %dma_wait3A_359 = tpu.memref_squeeze %dma_wait3A_358 : memref<1x128xi32, #tpu.memory_space<vmem>> -> memref<128xi32, #tpu.memory_space<vmem>>
    %dma_wait3A_360 = arith.constant 0 : i32
    %dma_wait3A_361 = arith.constant 0 : i32
    %dma_wait3A_362 = tpu.memref_slice %arg3[%dma_wait3A_360, %dma_wait3A_361] : memref<1024x256xf32, #tpu.memory_space<hbm>> -> memref<1024x256xf32, #tpu.memory_space<hbm>>
    tpu.wait_indirect_dma semaphore(%arg8 : memref<!tpu.dma_semaphore, #tpu.memory_space<semaphore_mem>>) src(%dma_wait3A_362 : memref<1024x256xf32, #tpu.memory_space<hbm>>) dst(%dma_wait3A_356 : memref<128x256xf32, #tpu.memory_space<vmem>>)
    %add3A_363 = arith.constant 896 : i32
    %add3A_364 = arith.addi %mul3A_2, %add3A_363 : i32
    %dma_start3A_365 = arith.constant 1 : i32
    %dma_start3A_366 = arith.constant 0 : i32
    %dma_start3A_367 = arith.constant 0 : i32
    %dma_start3A_368 = tpu.memref_slice %arg6[%dma_start3A_365, %dma_start3A_366, %dma_start3A_367] : memref<3x128x256xf32, #tpu.memory_space<vmem>> -> memref<1x128x256xf32, #tpu.memory_space<vmem>>
    %dma_start3A_369 = tpu.memref_squeeze %dma_start3A_368 : memref<1x128x256xf32, #tpu.memory_space<vmem>> -> memref<128x256xf32, #tpu.memory_space<vmem>>
    %dma_start3A_370 = arith.constant 0 : i32
    %dma_start3A_371 = tpu.memref_slice %arg4[%add3A_364, %dma_start3A_370] : memref<32768x256xf32, #tpu.memory_space<hbm>> -> memref<128x256xf32, #tpu.memory_space<hbm>>
    %dma_start3A_372 = arith.constant 0 : i32
    %dma_start3A_373 = tpu.memref_slice %arg4[%add3A_364, %dma_start3A_372] : memref<32768x256xf32, #tpu.memory_space<hbm>> -> memref<128x256xf32, #tpu.memory_space<hbm>>
    %dma_start3A_374 = arith.constant 0 : i32
    %dma_start3A_375 = arith.constant 0 : i32
    %dma_start3A_376 = tpu.memref_slice %arg6[%dma_start3A_365, %dma_start3A_374, %dma_start3A_375] : memref<3x128x256xf32, #tpu.memory_space<vmem>> -> memref<1x128x256xf32, #tpu.memory_space<vmem>>
    %dma_start3A_377 = tpu.memref_squeeze %dma_start3A_376 : memref<1x128x256xf32, #tpu.memory_space<vmem>> -> memref<128x256xf32, #tpu.memory_space<vmem>>
    tpu.enqueue_dma source(%dma_start3A_377 : memref<128x256xf32, #tpu.memory_space<vmem>>) target(%dma_start3A_373 : memref<128x256xf32, #tpu.memory_space<hbm>>) target_semaphore(%arg11 : memref<!tpu.dma_semaphore, #tpu.memory_space<semaphore_mem>>)
    %dma_wait3A_378 = arith.constant 0 : i32
    %dma_wait3A_379 = arith.constant 0 : i32
    %dma_wait3A_380 = arith.constant 0 : i32
    %dma_wait3A_381 = tpu.memref_slice %arg6[%dma_wait3A_378, %dma_wait3A_379, %dma_wait3A_380] : memref<3x128x256xf32, #tpu.memory_space<vmem>> -> memref<1x128x256xf32, #tpu.memory_space<vmem>>
    %dma_wait3A_382 = tpu.memref_squeeze %dma_wait3A_381 : memref<1x128x256xf32, #tpu.memory_space<vmem>> -> memref<128x256xf32, #tpu.memory_space<vmem>>
    %dma_wait3A_383 = arith.constant 0 : i32
    %dma_wait3A_384 = tpu.memref_slice %arg4[%add3A_337, %dma_wait3A_383] : memref<32768x256xf32, #tpu.memory_space<hbm>> -> memref<128x256xf32, #tpu.memory_space<hbm>>
    %dma_wait3A_385 = arith.constant 0 : i32
    %dma_wait3A_386 = tpu.memref_slice %arg4[%add3A_337, %dma_wait3A_385] : memref<32768x256xf32, #tpu.memory_space<hbm>> -> memref<128x256xf32, #tpu.memory_space<hbm>>
    %dma_wait3A_387 = arith.constant 0 : i32
    %dma_wait3A_388 = arith.constant 0 : i32
    %dma_wait3A_389 = tpu.memref_slice %arg6[%dma_wait3A_378, %dma_wait3A_387, %dma_wait3A_388] : memref<3x128x256xf32, #tpu.memory_space<vmem>> -> memref<1x128x256xf32, #tpu.memory_space<vmem>>
    %dma_wait3A_390 = tpu.memref_squeeze %dma_wait3A_389 : memref<1x128x256xf32, #tpu.memory_space<vmem>> -> memref<128x256xf32, #tpu.memory_space<vmem>>
    tpu.wait_dma2 semaphore(%arg10 : memref<!tpu.dma_semaphore, #tpu.memory_space<semaphore_mem>>) src(%dma_wait3A_390 : memref<128x256xf32, #tpu.memory_space<vmem>>) dst(%dma_wait3A_386 : memref<128x256xf32, #tpu.memory_space<hbm>>)
    %dma_wait3A_391 = arith.constant 1 : i32
    %dma_wait3A_392 = arith.constant 0 : i32
    %dma_wait3A_393 = arith.constant 0 : i32
    %dma_wait3A_394 = tpu.memref_slice %arg6[%dma_wait3A_391, %dma_wait3A_392, %dma_wait3A_393] : memref<3x128x256xf32, #tpu.memory_space<vmem>> -> memref<1x128x256xf32, #tpu.memory_space<vmem>>
    %dma_wait3A_395 = tpu.memref_squeeze %dma_wait3A_394 : memref<1x128x256xf32, #tpu.memory_space<vmem>> -> memref<128x256xf32, #tpu.memory_space<vmem>>
    %dma_wait3A_396 = arith.constant 0 : i32
    %dma_wait3A_397 = tpu.memref_slice %arg4[%add3A_364, %dma_wait3A_396] : memref<32768x256xf32, #tpu.memory_space<hbm>> -> memref<128x256xf32, #tpu.memory_space<hbm>>
    %dma_wait3A_398 = arith.constant 0 : i32
    %dma_wait3A_399 = tpu.memref_slice %arg4[%add3A_364, %dma_wait3A_398] : memref<32768x256xf32, #tpu.memory_space<hbm>> -> memref<128x256xf32, #tpu.memory_space<hbm>>
    %dma_wait3A_400 = arith.constant 0 : i32
    %dma_wait3A_401 = arith.constant 0 : i32
    %dma_wait3A_402 = tpu.memref_slice %arg6[%dma_wait3A_391, %dma_wait3A_400, %dma_wait3A_401] : memref<3x128x256xf32, #tpu.memory_space<vmem>> -> memref<1x128x256xf32, #tpu.memory_space<vmem>>
    %dma_wait3A_403 = tpu.memref_squeeze %dma_wait3A_402 : memref<1x128x256xf32, #tpu.memory_space<vmem>> -> memref<128x256xf32, #tpu.memory_space<vmem>>
    tpu.wait_dma2 semaphore(%arg11 : memref<!tpu.dma_semaphore, #tpu.memory_space<semaphore_mem>>) src(%dma_wait3A_403 : memref<128x256xf32, #tpu.memory_space<vmem>>) dst(%dma_wait3A_399 : memref<128x256xf32, #tpu.memory_space<hbm>>)
    %dma_wait3A_404 = arith.constant 2 : i32
    %dma_wait3A_405 = arith.constant 0 : i32
    %dma_wait3A_406 = arith.constant 0 : i32
    %dma_wait3A_407 = tpu.memref_slice %arg6[%dma_wait3A_404, %dma_wait3A_405, %dma_wait3A_406] : memref<3x128x256xf32, #tpu.memory_space<vmem>> -> memref<1x128x256xf32, #tpu.memory_space<vmem>>
    %dma_wait3A_408 = tpu.memref_squeeze %dma_wait3A_407 : memref<1x128x256xf32, #tpu.memory_space<vmem>> -> memref<128x256xf32, #tpu.memory_space<vmem>>
    %dma_wait3A_409 = arith.constant 0 : i32
    %dma_wait3A_410 = tpu.memref_slice %arg4[%add3A_285, %dma_wait3A_409] : memref<32768x256xf32, #tpu.memory_space<hbm>> -> memref<128x256xf32, #tpu.memory_space<hbm>>
    %dma_wait3A_411 = arith.constant 0 : i32
    %dma_wait3A_412 = tpu.memref_slice %arg4[%add3A_285, %dma_wait3A_411] : memref<32768x256xf32, #tpu.memory_space<hbm>> -> memref<128x256xf32, #tpu.memory_space<hbm>>
    %dma_wait3A_413 = arith.constant 0 : i32
    %dma_wait3A_414 = arith.constant 0 : i32
    %dma_wait3A_415 = tpu.memref_slice %arg6[%dma_wait3A_404, %dma_wait3A_413, %dma_wait3A_414] : memref<3x128x256xf32, #tpu.memory_space<vmem>> -> memref<1x128x256xf32, #tpu.memory_space<vmem>>
    %dma_wait3A_416 = tpu.memref_squeeze %dma_wait3A_415 : memref<1x128x256xf32, #tpu.memory_space<vmem>> -> memref<128x256xf32, #tpu.memory_space<vmem>>
    tpu.wait_dma2 semaphore(%arg12 : memref<!tpu.dma_semaphore, #tpu.memory_space<semaphore_mem>>) src(%dma_wait3A_416 : memref<128x256xf32, #tpu.memory_space<vmem>>) dst(%dma_wait3A_412 : memref<128x256xf32, #tpu.memory_space<hbm>>)
    return
  }
}

module attributes {stable_mosaic.version = 14 : i64} {
  func.func @_argmin_body(%arg0: i32, %arg1: memref<1x1x4096xf32, #tpu.memory_space<vmem>>, %arg2: memref<1024x1xf32, #tpu.memory_space<vmem>>, %arg3: memref<1024x1xf32, #tpu.memory_space<vmem>>, %arg4: memref<4096x256xf32, #tpu.memory_space<vmem>>, %arg5: memref<1024x256xf32, #tpu.memory_space<vmem>>, %arg6: memref<1x1x4096xi32, #tpu.memory_space<vmem>>) attributes {dimension_semantics = [#tpu.dimension_semantics<arbitrary>], iteration_bounds = array<i64: 8>, scalar_prefetch = 0 : i64, scratch_operands = 0 : i64, tpu.core_type = #tpu.core_type<tc>, window_params = [{transform_indices = @transform_0, window_bounds = array<i64: 1, 1, 4096>}, {pipeline_mode = #tpu.pipeline_mode<synchronous>, transform_indices = @transform_1, window_bounds = array<i64: 1024, 1>}, {pipeline_mode = #tpu.pipeline_mode<synchronous>, transform_indices = @transform_2, window_bounds = array<i64: 1024, 1>}, {transform_indices = @transform_3, window_bounds = array<i64: 4096, 256>}, {pipeline_mode = #tpu.pipeline_mode<synchronous>, transform_indices = @transform_4, window_bounds = array<i64: 1024, 256>}, {transform_indices = @transform_5, window_bounds = array<i64: 1, 1, 4096>}]} {
    %get3A = arith.constant 0 : index
    %get3A_0 = arith.constant 0 : index
    %get3A_1 = vector.load %arg4[%get3A, %get3A_0] : memref<4096x256xf32, #tpu.memory_space<vmem>>, vector<4096x256xf32>
    %get3A_2 = arith.constant 0 : index
    %get3A_3 = arith.constant 0 : index
    %get3A_4 = vector.load %arg5[%get3A_2, %get3A_3] : memref<1024x256xf32, #tpu.memory_space<vmem>>, vector<1024x256xf32>
    %add3A = arith.addf %get3A_4, %get3A_4 : vector<1024x256xf32>
    %dot_general3A = arith.constant dense<0.000000e+00> : vector<1024x4096xf32>
    %dot_general3A_5 = tpu.matmul %add3A, %get3A_1, %dot_general3A {dimension_numbers = #tpu.dot_dimension_numbers<[1], [1], [0], [0], [0, 0, 1, 0], [], []>, transpose_lhs_hint = false} : vector<1024x256xf32>, vector<4096x256xf32>, vector<1024x4096xf32> -> vector<1024x4096xf32>
    %get3A_6 = arith.constant 0 : index
    %get3A_7 = arith.constant 0 : index
    %get3A_8 = arith.constant 0 : index
    %get3A_9 = vector.load %arg1[%get3A_6, %get3A_7, %get3A_8] : memref<1x1x4096xf32, #tpu.memory_space<vmem>>, vector<1x1x4096xf32>
    %reshape3A = vector.shape_cast %get3A_9 : vector<1x1x4096xf32> to vector<1x4096xf32>
    %get3A_10 = arith.constant 0 : index
    %get3A_11 = arith.constant 0 : index
    %get3A_12 = vector.load %arg2[%get3A_10, %get3A_11] : memref<1024x1xf32, #tpu.memory_space<vmem>>, vector<1024x1xf32>
    %add3A_13 = vector.broadcast %reshape3A : vector<1x4096xf32> to vector<1024x4096xf32>
    %add3A_14 = vector.broadcast %get3A_12 : vector<1024x1xf32> to vector<1024x4096xf32>
    %add3A_15 = arith.addf %add3A_13, %add3A_14 : vector<1024x4096xf32>
    %sub3A = arith.subf %add3A_15, %dot_general3A_5 : vector<1024x4096xf32>
    %reduce_min3A = arith.constant dense<0x7F800000> : vector<4096xf32>
    %reduce_min3A_16 = vector.multi_reduction <minimumf>, %sub3A, %reduce_min3A [0] : vector<1024x4096xf32> to vector<4096xf32>
    %broadcast_in_dim3A = vector.shape_cast %reduce_min3A_16 : vector<4096xf32> to vector<1x4096xf32>
    %eq3A = vector.broadcast %broadcast_in_dim3A : vector<1x4096xf32> to vector<1024x4096xf32>
    %eq3A_17 = arith.cmpf oeq, %sub3A, %eq3A : vector<1024x4096xf32>
    %get3A_18 = arith.constant 0 : index
    %get3A_19 = arith.constant 0 : index
    %get3A_20 = vector.load %arg3[%get3A_18, %get3A_19] : memref<1024x1xf32, #tpu.memory_space<vmem>>, vector<1024x1xf32>
    %jit3A = arith.constant -1.000000e+00 : f32
    %broadcast_in_dim3A_21 = vector.shape_cast %get3A_20 : vector<1024x1xf32> to vector<1024x1xf32>
    %broadcast_in_dim3A_22 = vector.broadcast %broadcast_in_dim3A_21 : vector<1024x1xf32> to vector<1024x4096xf32>
    %broadcast_in_dim3A_23 = vector.broadcast %jit3A : f32 to vector<1024x4096xf32>
    %select_n3A = arith.select %eq3A_17, %broadcast_in_dim3A_22, %broadcast_in_dim3A_23 : vector<1024x4096xi1>, vector<1024x4096xf32>
    %reduce_max3A = arith.constant dense<0xFF800000> : vector<4096xf32>
    %reduce_max3A_24 = vector.multi_reduction <maximumf>, %select_n3A, %reduce_max3A [0] : vector<1024x4096xf32> to vector<4096xf32>
    %broadcast_in_dim3A_25 = vector.shape_cast %reduce_max3A_24 : vector<4096xf32> to vector<1x4096xf32>
    %sub3A_26 = arith.constant 1.023000e+03 : f32
    %sub3A_27 = vector.broadcast %sub3A_26 : f32 to vector<1x4096xf32>
    %sub3A_28 = arith.subf %sub3A_27, %broadcast_in_dim3A_25 : vector<1x4096xf32>
    %convert_element_type3A = arith.fptosi %sub3A_28 : vector<1x4096xf32> to vector<1x4096xi32>
    %reshape3A_29 = vector.shape_cast %convert_element_type3A : vector<1x4096xi32> to vector<1x1x4096xi32>
    %swap3A = arith.constant 0 : index
    %swap3A_30 = arith.constant 0 : index
    %swap3A_31 = arith.constant 0 : index
    %swap3A_32 = vector.load %arg6[%swap3A, %swap3A_30, %swap3A_31] : memref<1x1x4096xi32, #tpu.memory_space<vmem>>, vector<1x1x4096xi32>
    tpu.vector_store %arg6[%swap3A, %swap3A_30, %swap3A_31], %reshape3A_29 {strides = array<i32>} : memref<1x1x4096xi32, #tpu.memory_space<vmem>>, vector<1x1x4096xi32>,
    return
  }
  func.func @transform_0(%arg0: i32) -> (i32, i32, i32) {
    %c0_i32 = arith.constant 0 : i32
    %c0_i32_0 = arith.constant 0 : i32
    %c0_i32_1 = arith.constant 0 : i32
    return %arg0, %c0_i32, %c0_i32_0 : i32, i32, i32
  }
  func.func @transform_1(%arg0: i32) -> (i32, i32) {
    %c0_i32 = arith.constant 0 : i32
    %c0_i32_0 = arith.constant 0 : i32
    %c0_i32_1 = arith.constant 0 : i32
    return %c0_i32, %c0_i32_0 : i32, i32
  }
  func.func @transform_2(%arg0: i32) -> (i32, i32) {
    %c0_i32 = arith.constant 0 : i32
    %c0_i32_0 = arith.constant 0 : i32
    %c0_i32_1 = arith.constant 0 : i32
    return %c0_i32, %c0_i32_0 : i32, i32
  }
  func.func @transform_3(%arg0: i32) -> (i32, i32) {
    %c0_i32 = arith.constant 0 : i32
    %c0_i32_0 = arith.constant 0 : i32
    return %arg0, %c0_i32 : i32, i32
  }
  func.func @transform_4(%arg0: i32) -> (i32, i32) {
    %c0_i32 = arith.constant 0 : i32
    %c0_i32_0 = arith.constant 0 : i32
    %c0_i32_1 = arith.constant 0 : i32
    return %c0_i32, %c0_i32_0 : i32, i32
  }
  func.func @transform_5(%arg0: i32) -> (i32, i32, i32) {
    %c0_i32 = arith.constant 0 : i32
    %c0_i32_0 = arith.constant 0 : i32
    %c0_i32_1 = arith.constant 0 : i32
    return %arg0, %c0_i32, %c0_i32_0 : i32, i32, i32
  }
}

</mosaic_0001>

<sc_bundles>
// kernel: kernel.4.cloned.1.call-start
scs
__scs_entry_jumppad:
0x0: {  	(pc) =	sbr.rel $0x88, $3  }
0x1: {  	(tag) =	ssettag $0x0;
	lr =	simm.s32 $0x1  }
0x2: {  	[smem:$0x3F9F] =	sst lr;
	_ =	strace $0xD0000000  }
0x3: {  	_ = 	snop  }
0x4: {  	_ = 	snop  }
0x5: {  	_ = 	snop  }
0x6: {  	_ = 	snop  }
0x7: {  	_ = 	snop  }
__scs_overlays_trampoline_lowered:
0x8: {  	[smem:$0x3FAE] =	sst s0  }
0x9: {  	[smem:$0x3FAF] =	sst s1  }
0xa: {  	[smem:$0x3FB0] =	sst s2  }
0xb: {  	[smem:$0x3FB1] =	sst s3  }
0xc: {  	[smem:$0x3FB2] =	sst s4  }
0xd: {  	[smem:$0x3FB3] =	sst s5  }
0xe: {  	[smem:$0x3FB4] =	sst s6  }
0xf: {  	[smem:$0x3FB5] =	sst s7  }
0x10: {  	[smem:$0x3FB6] =	sst s8  }
0x11: {  	[smem:$0x3FB7] =	sst s9;
	s0 =	simm.s32 @!p0 $0x0  }
0x12: {  	s1 =	sld [smem:$0x3F9D];
	s0 =	simm.s32 @p0 $0x1  }
0x13: {  	[smem:$0x3FB8] =	sst s0;
	s0 =	simm.s32 @!p1 $0x0  }
0x14: {  	s2 =	sld [smem:$0x3F9C];
	s0 =	simm.s32 @p1 $0x1  }
0x15: {  	[smem:$0x3FB9] =	sst s0;
	s0 =	simm.s32 @!p2 $0x0  }
0x16: {  	s3 =	sld [smem:$0x3FDB];
	s0 =	simm.s32 @p2 $0x1  }
0x17: {  	s4 =	simm.s32 $0x1BF5;
	[smem:$0x3FBB] =	sst s0  }
0x18: {  	s0 =	sld [smem:$0x3F9E];
	_ =	swait.ge [sflag:s4], $0x0  }
0x19: {  	s7 =	sld [smem:$0x3F9F]  }
0x1a: {  	s8 =	sadd.s32 $0xFFFFE003, lr  }
0x1b: {  	s9 =	sadd.s32 $0xFFFFFEF7, lr;
	s5 =	simm.s32 $0xFFFFFFFF;
	p2 =	slt.u32 s8, $0xFFFFF086  }
0x1c: {  	p1 =	slt.u32 s9, $0xF7A;
	s5 =	simm.s32 @!p2 $0x0  }
0x1d: {  	s5 =	simm.s32 @p1 $0x1;
	p0 =	seq.s32 s7, s2  }
0x1e: {  	s7 =	smul.u32 @!p0 $0xF7A, s2;
	p2 =	seq.s32 @!p0 s5, $0x0  }
0x1f: {  	s9 =	smul.u32 $0xF7A, s1;
	s8 =	simm.s32 @!p0 $0x1BF5;
	p2 =	por !p2, p0  }
0x20: {  	[sflag:s8] =	ssyncset.s32 @!p0 $0xFFFFF086;
	s6 =	sadd.s32 @!p0 s3, s7;
	s7 =	simm.s32 @!p0 $0x108  }
0x21: {  	s3 =	sadd.s32 s3, s9;
	s6 =	sadd.s32 @!p0 $0x88, s6;
	s7 =	simm.s32 @p2 $0x1082  }
0x22: {  	[simem:s7], [sflag:s8] =	dma.local @!p0 [hbm:s6], $0xF7A  }
0x23: {  	s9 =	sor.u32 $0xD0000000, s2;
	s6 =	simm.s32 $0x108;
	_ =	swait.ge @!p0 [sflag:s8], $0x0  }
0x24: {  	s3 =	sadd.s32 $0x88, s3;
	s6 =	simm.s32 @!p1 $0x1082;
	[sflag:s4] =	ssyncset.s32 $0xFFFFF086  }
0x25: {  	[simem:s6], [sflag:s4] =	dma.local [hbm:s3], $0xF7A  }
0x26: {  	[smem:$0x3F9F] =	sst s1;
	(tag) =	ssettag s2;
	_ =	strace s9  }
0x27: {  	s1 =	sld [smem:$0x3FAF]  }
0x28: {  	s2 =	sld [smem:$0x3FB0]  }
0x29: {  	s4 =	sld [smem:$0x3FB2]  }
0x2a: {  	p0 =	seq.s32 s5, $0x0;
	s5 =	sld [smem:$0x3FB3]  }
0x2b: {  	s6 =	sld [smem:$0x3FB4]  }
0x2c: {  	s7 =	sld [smem:$0x3FB5]  }
0x2d: {  	s3 =	simm.s32 $0x108;
	s8 =	sld [smem:$0x3FB6]  }
0x2e: {  	s3 =	simm.s32 @!p0 $0x1082;
	s9 =	sld [smem:$0x3FB7]  }
0x2f: {  	lr =	sadd.s32 s0, s3;
	s0 =	sld [smem:$0x3FAE]  }
0x30: {  	s3 =	sld [smem:$0x3FB1]  }
0x31: {  	[smem:$0x3FBA] =	sst s10  }
0x32: {  	s10 =	sld [smem:$0x3FB8];
	_ =	sdelay $0x3  }
0x33: {  	p0 =	seq.s32 s10, $0x1;
	s10 =	sld [smem:$0x3FBA];
	_ =	sdelay $0x3  }
0x34: {  	[smem:$0x3FBA] =	sst s10  }
0x35: {  	s10 =	sld [smem:$0x3FB9];
	_ =	sdelay $0x3  }
0x36: {  	p1 =	seq.s32 s10, $0x1;
	s10 =	sld [smem:$0x3FBA];
	_ =	sdelay $0x3  }
0x37: {  	[smem:$0x3FBA] =	sst s10  }
0x38: {  	s10 =	sld [smem:$0x3FBB]  }
0x39: {  	_ = 	snop;
	(pc) =	sbr.ind lr, $3  }
0x3a: {  	_ = 	snop  }
0x3b: {  	_ = 	snop  }
0x3c: {  	p2 =	seq.s32 s10, $0x1;
	s10 =	sld [smem:$0x3FBA]  }
0x3d: {  	_ =	shalt  }
0x3e: {  	_ =	shalt  }
0x3f: {  	_ =	shalt  }
0x40: {  	_ =	shalt  }
0x41: {  	_ =	shalt  }
0x42: {  	_ =	shalt  }
0x43: {  	_ =	shalt  }
0x44: {  	_ =	shalt  }
0x45: {  	_ =	shalt  }
0x46: {  	_ =	shalt  }
0x47: {  	_ =	shalt  }
0x48: {  	_ =	shalt  }
0x49: {  	_ =	shalt  }
0x4a: {  	_ =	shalt  }
0x4b: {  	_ =	shalt  }
0x4c: {  	_ =	shalt  }
0x4d: {  	_ =	shalt  }
0x4e: {  	_ =	shalt  }
0x4f: {  	_ =	shalt  }
0x50: {  	_ =	shalt  }
0x51: {  	_ =	shalt  }
0x52: {  	_ =	shalt  }
0x53: {  	_ =	shalt  }
0x54: {  	_ =	shalt  }
0x55: {  	_ =	shalt  }
0x56: {  	_ =	shalt  }
0x57: {  	_ =	shalt  }
0x58: {  	_ =	shalt  }
0x59: {  	_ =	shalt  }
0x5a: {  	_ =	shalt  }
0x5b: {  	_ =	shalt  }
0x5c: {  	_ =	shalt  }
0x5d: {  	_ =	shalt  }
0x5e: {  	_ =	shalt  }
0x5f: {  	_ =	shalt  }
0x60: {  	_ =	shalt  }
0x61: {  	_ =	shalt  }
0x62: {  	_ =	shalt  }
0x63: {  	_ =	shalt  }
0x64: {  	_ =	shalt  }
0x65: {  	_ =	shalt  }
0x66: {  	_ =	shalt  }
0x67: {  	_ =	shalt  }
0x68: {  	_ =	shalt  }
0x69: {  	_ =	shalt  }
0x6a: {  	_ =	shalt  }
0x6b: {  	_ =	shalt  }
0x6c: {  	_ =	shalt  }
0x6d: {  	_ =	shalt  }
0x6e: {  	_ =	shalt  }
0x6f: {  	_ =	shalt  }
0x70: {  	_ =	shalt  }
0x71: {  	_ =	shalt  }
0x72: {  	_ =	shalt  }
0x73: {  	_ =	shalt  }
0x74: {  	_ =	shalt  }
0x75: {  	_ =	shalt  }
0x76: {  	_ =	shalt  }
0x77: {  	_ =	shalt  }
0x78: {  	_ =	shalt  }
0x79: {  	_ =	shalt  }
0x7a: {  	_ =	shalt  }
0x7b: {  	_ =	shalt  }
0x7c: {  	_ =	shalt  }
0x7d: {  	_ =	shalt  }
0x7e: {  	_ =	shalt  }
0x7f: {  	_ =	shalt  }
0x80: {  	_ =	shalt  }
0x81: {  	_ =	shalt  }
0x82: {  	_ =	shalt  }
0x83: {  	_ =	shalt  }
0x84: {  	_ =	shalt  }
0x85: {  	_ =	shalt  }
0x86: {  	_ =	shalt  }
0x87: {  	_ =	shalt  }
.Lfunc_end0:
.L_simem_size_0:
called_computation_lowered:
.L_overlay_start_0:
0x88: {  	s2 =	sld [smem:$0x3FD9]  }
0x89: {  	s3 =	sld [smem:$0x3FFE];
	_ =	sdelay $0x1  }
0x8a: {  	s1 =	srdreg.scid  }
0x8b: {  	s0 =	sand.u32 $0x1, s1  }
0x8c: {  	s17 =	sshll.u32 s0, $0xA;
	s2 =	sadd.s32 s3, s2  }
0x8d: {  	s2 =	sadd.s32 s2, s17  }
0x8e: {  	[smem:$0x3FC6] =	sst s2  }
0x8f: {  	_ = 	snop  }
0x90: {  	s2 =	sld [smem:$0x3FC8]  }
0x91: {  	s18 =	sld [smem:$0x3FD0];
	(tm) =	ssettm $0x1  }
0x92: {  	s4 =	sld [smem:$0x3FFB];
	_ =	sdelay $0x3  }
0x93: {  	_ =	strace s4  }
0x94: {  	s4 =	sld [smem:$0x3FFC];
	_ =	sdelay $0x3  }
0x95: {  	_ =	strace s4  }
0x96: {  	s4 =	sld [smem:$0x3FFD];
	_ =	sdelay $0x3  }
0x97: {  	_ =	strace s4  }
0x98: {  	_ =	strace $0x8FFFFFFF  }
0x99: {  	s19 =	sld [smem:$0x3FDB];
	_ =	sdelay $0x1  }
0x9a: {  	s5 =	simm.s32 $_scs_section_size  }
0x9b: {  	s6 =	simm.s32 $_size__tile_overlayer_lowered;
	s7 =	simm.s32 $_tile_overlayer_lowered  }
0x9c: {  	s22 =	simm.s32 $0x1BFF;
	s21 =	sshll.u32 s7, $0x1;
	s4 =	sadd.s32 s5, s19  }
0x9d: {  	s8 =	simm.s32 $0x0;
	s20 =	sshll.u32 s6, $0x1;
	s6 =	sadd.s32 s21, s4  }
0x9e: {  	[timem:s8], [sflag:s22] =	dma.local [hbm:s6], s20  }
0x9f: {  	_ =	swait.ge [sflag:s22], s20  }
0xa0: {  	s5 =	ssub.s32 $0x0, s20;
	[sflag:s22] =	ssyncset.done $0x0  }
0xa1: {  	[sflag:s22] =	ssyncadd.s32 s5;
	_ =	sdelay $0x1  }
0xa2: {  	s23 =	simm.s32 $0x1B8B  }
0xa3: {  	_ =	swait.ge [sflag:s23], $0x1  }
0xa4: {  	[sflag:s23] =	ssyncset.done $0x0  }
0xa5: {  	s25 =	simm.s32 $0x1B8E;
	s24 =	sld [smem:$0x3FFE];
	[sflag:s23] =	ssyncadd.s32 $0xFFFFFFFF  }
0xa6: {  	s26 =	simm.s32 $execute0_lowered;
	[smem:$0x3FD2] =	sst s25  }
0xa7: {  	s6 =	sshll.u32 s26, $0x1;
	_ =	strace $0x80000046;
	[dreg:$0x1] =	wrdreg $0xFFFFFFFF  }
0xa8: {  	s28 =	simm.s32 $_size_execute0_lowered;
	s4 =	sadd.s32 s4, s6;
	[dreg:$0x0] =	wrdreg $0x0  }
0xa9: {  	s6 =	sshll.u32 s28, $0x1;
	[dreg:$0x2] =	wrdreg s4  }
0xaa: {  	[dreg:$0x3] =	wrdreg s6  }
0xab: {  	[dreg:$0x4] =	wrdreg $0xC0  }
0xac: {  	_ =	task [dreg:s8], $0x5FFFF  }
0xad: {  	[dreg:$0x1] =	wrdreg $0xFFFFFFFF  }
0xae: {  	[dreg:$0x0] =	wrdreg $0x60  }
0xaf: {  	[dreg:$0x2] =	wrdreg s24  }
0xb0: {  	[dreg:$0x3] =	wrdreg s2  }
0xb1: {  	[dreg:$0x4] =	wrdreg s18  }
0xb2: {  	[dreg:$0x5] =	wrdreg $0x9  }
0xb3: {  	_ =	task.clear_ibuf [dreg:s8], $0x6FFFF;
	_ =	strace $0x90000046  }
0xb4: {  	s29 =	simm.s32 $0x9;
	_ =	strace $0x80000048  }
0xb5: {  	_ =	swait.ge [sflag:s29], $0x1  }
0xb6: {  	[sflag:s29] =	ssyncadd.s32 $0xFFFFFFFF  }
0xb7: {  	_ =	strace $0x90000048  }
0xb8: {  	_ =	sfence  }
0xb9: {  	s30 =	sld [smem:$0x0];
	_ =	sdelay $0x2  }
0xba: {  	s31 =	sshll.u32 s1, $0xD;
	s1 =	sshrl.u32 s1, $0x2  }
0xbb: {  	s3 =	sand.u32 $0x4000, s31;
	s1 =	sadd.s32 s1, s30  }
0xbc: {  	s0 =	sor.u32 s3, s0;
	s1 =	sshll.u32 s1, $0x11  }
0xbd: {  	s0 =	sor.u32 s1, s0  }
0xbe: {  	s0 =	sadd.s32 $0x8F2B, s0  }
0xbf: {  	[sflag:s0] =	ssyncadd.remote.s32 $0x1  }
0xc0: {  	_ =	sfence.sel $0xFFFF  }
0xc1: {  	[dreg:$0x0] =	wrdreg $0xFFFFFFFF;
	(pc) =	sbr.abs _section_cstart, $3  }
0xc2: {  	[dreg:$0x1] =	wrdreg $0xFFFFFFFF  }
0xc3: {  	_ =	task.clear_ibuf [dreg:s8], $0x2FFFF;
	_ =	strace $0x9FFFFFFF  }
0xc4: {  	(tm) =	ssettm $0x7FFFFFFF  }
0xc5: {  	_ =	shalt  }
tec
execute0_lowered:
.L_overlay_start_1:
0x0: {  	(tag) =	ssettag $0x1  }
0x1: {  	s0 =	rddreg [dreg:$0x0];
	s1 =	srdreg.scid  }
0x2: {  	s2 =	rddreg [dreg:$0x1];
	s3 =	stileid.u32  }
0x3: {  	s4 =	rddreg [dreg:$0x2];
	s28 =	simm.s32 $0x400;
	s12 =	simm.s32 $0x1  }
0x4: {  	s14 =	simm.s32 $0x2;
	s15 =	simm.s32 $0x4;
	s16 =	simm.s32 $0x3  }
0x5: {  	s17 =	simm.s32 $0x5;
	s18 =	simm.s32 $0x6;
	s29 =	simm.s32 $0x4400  }
0x6: {  	s30 =	simm.s32 $0x4C00;
	s31 =	simm.s32 $0x5400;
	s1 =	sand.u32 $0x1, s1  }
0x7: {  	s7 =	simm.s32 $0x12400;
	s5 =	sshll.u32 s3, $0xB;
	s6 =	sshll.u32 s1, $0xA  }
0x8: {  	s8 =	simm.s32 $0x12C00;
	s9 =	simm.s32 $0x13400;
	s5 =	sor.u32 s6, s5  }
0x9: {  	s10 =	simm.s32 $0x13C00;
	s3 =	simm.s32 $0x0;
	s6 =	sshrl.u32 s5, $0x3  }
0xa: {  	[smem:$0x7FF] =	sst s3;
	s5 =	sshll.u32 s5, $0x5;
	s0 =	sadd.s32 s0, s6  }
0xb: {  	_ =	strace $0x80000047;
	s5 =	sadd.s32 s4, s5;
	[dreg:$0x4] =	wrdreg s0  }
0xc: {  	s11 =	simm.s32 $0x14400;
	s19 =	sadd.s32 $0x1000, s5;
	[dreg:$0xc] =	wrdreg s5  }
0xd: {  	s13 =	simm.s32 $0x14C00;
	s20 =	sadd.s32 $0x2000, s5;
	[dreg:$0x5] =	wrdreg s19  }
0xe: {  	s1 =	ssub.s32 $0x2, s1;
	s21 =	sadd.s32 $0x3000, s5;
	[dreg:$0x6] =	wrdreg s20  }
0xf: {  	s24 =	sshrl.u32 s1, $0x1;
	s22 =	sadd.s32 $0x4000, s5;
	[dreg:$0x7] =	wrdreg s21  }
0x10: {  	s1 =	ssub.s32 s1, s24;
	s23 =	sadd.s32 $0x5000, s5;
	[dreg:$0x8] =	wrdreg s22  }
0x11: {  	s24 =	simm.s32 $0x16C00;
	s25 =	sadd.s32 $0x6000, s5;
	[dreg:$0x9] =	wrdreg s23  }
0x12: {  	s4 =	simm.s32 $0x11400;
	s26 =	sadd.s32 $0x7000, s5;
	[dreg:$0xa] =	wrdreg s25  }
0x13: {  	v2 =	vlaneseq.u32;
	s6 =	simm.s32 $0x11C00;
	s5 =	smax.u32 s1, $0x1;
	[dreg:$0xb] =	wrdreg s26  }
0x14: {  	vm0 =	vmmov $0xffff;
	v1 =	vshrl.u32 v2, $0x3;
	s23 =	simm.s32 $0x8400;
	s20 =	simm.s32 $0x15400;
	s21 =	simm.s32 $0x15C00  }
0x15: {  	v0 =	vand.u32 $0x7, v2;
	v2 =	vor.u32 $0x8, v2;
	v1 =	vmul.u32 $0x8, v1;
	s22 =	simm.s32 $0x16400;
	s25 =	simm.s32 $0x17400;
	s26 =	simm.s32 $0x17C00  }
.LBB2_1:
0x16: {  	s19 =	rddreg [dreg:$0x4];
	s0 =	simm.s32 $0x7  }
0x17: {  	[tilespmem:s3], [sflag:$0x7] =	stream.linear.gather [hbm4b:s19+s3], $0x400, $0x38;
	[tilespmem:$0x18400] =	vst v63  }
0x18: {  	_ =	swait.ge [sflag:s0], $0x400  }
0x19: {  	[sflag:s0] =	ssyncset.done $0x0  }
0x1a: {  	[sflag:s0] =	ssyncadd.s32 $0xFFFFFC00  }
0x1b: {  	v3 =	vld [tilespmem:$0x0];
	_ =	sdelay $0x4  }
0x1c: {  	v4 =	vshll.u32 v3, $0x1  }
0x1d: {  	v3 =	vand.u32 $0x7, v3;
	v4 =	vand.u32 $0xFFFFFFF0, v4  }
0x1e: {  	v3 =	vor.u32 v3, v4  }
0x1f: {  	v4 =	vperm.xlane v3, v0;
	_ =	sdelay $0x1  }
0x20: {  	v3 =	vperm.xlane v3, v2;
	v4 =	vadd.s32 v1, v4;
	_ =	sdelay $0x1  }
0x21: {  	v3 =	vadd.s32 v1, v3;
	_ =	sdelay $0x2  }
0x22: {  	[tilespmem:s28], [sflag:$0x1] =	stream.indirect_vreg.gather [hbm4b:s2+s3], $0x80, v4, vm0, $0xb8;
	[tilespmem:$0x18400] =	vst v63  }
0x23: {  	s0 =	simm.s32 $0xC00  }
0x24: {  	[tilespmem:s0], [sflag:$0x1] =	stream.indirect_vreg.gather [hbm4b:s2+s3], $0x80, v3, vm0, $0xb8;
	[tilespmem:$0x18400] =	vst v63  }
0x25: {  	v3 =	vld [tilespmem:$0x10];
	_ =	sdelay $0x4  }
0x26: {  	v57 =	vshll.u32 v3, $0x1  }
0x27: {  	v3 =	vand.u32 $0x7, v3;
	v4 =	vand.u32 $0xFFFFFFF0, v57  }
0x28: {  	v3 =	vor.u32 v3, v4  }
0x29: {  	v4 =	vperm.xlane v3, v0;
	_ =	sdelay $0x1  }
0x2a: {  	v3 =	vperm.xlane v3, v2;
	v4 =	vadd.s32 v1, v4;
	_ =	sdelay $0x1  }
0x2b: {  	v3 =	vadd.s32 v1, v3;
	_ =	sdelay $0x1  }
0x2c: {  	s1 =	simm.s32 $0x1400  }
0x2d: {  	[tilespmem:s1], [sflag:$0x1] =	stream.indirect_vreg.gather [hbm4b:s2+s3], $0x80, v4, vm0, $0xb8;
	[tilespmem:$0x18400] =	vst v63  }
0x2e: {  	s19 =	simm.s32 $0x1C00  }
0x2f: {  	[tilespmem:s19], [sflag:$0x1] =	stream.indirect_vreg.gather [hbm4b:s2+s3], $0x80, v3, vm0, $0xb8;
	[tilespmem:$0x18400] =	vst v63  }
0x30: {  	v3 =	vld [tilespmem:$0x20];
	_ =	sdelay $0x4  }
0x31: {  	v58 =	vshll.u32 v3, $0x1  }
0x32: {  	v3 =	vand.u32 $0x7, v3;
	v4 =	vand.u32 $0xFFFFFFF0, v58  }
0x33: {  	v3 =	vor.u32 v3, v4  }
0x34: {  	v4 =	vperm.xlane v3, v0;
	_ =	sdelay $0x1  }
0x35: {  	v3 =	vperm.xlane v3, v2;
	v4 =	vadd.s32 v1, v4;
	_ =	sdelay $0x1  }
0x36: {  	v3 =	vadd.s32 v1, v3;
	_ =	sdelay $0x1  }
0x37: {  	s1 =	simm.s32 $0x2400  }
0x38: {  	[tilespmem:s1], [sflag:$0x1] =	stream.indirect_vreg.gather [hbm4b:s2+s3], $0x80, v4, vm0, $0xb8;
	[tilespmem:$0x18400] =	vst v63  }
0x39: {  	s19 =	simm.s32 $0x2C00  }
0x3a: {  	[tilespmem:s19], [sflag:$0x1] =	stream.indirect_vreg.gather [hbm4b:s2+s3], $0x80, v3, vm0, $0xb8;
	[tilespmem:$0x18400] =	vst v63  }
0x3b: {  	v3 =	vld [tilespmem:$0x30];
	_ =	sdelay $0x4  }
0x3c: {  	v59 =	vshll.u32 v3, $0x1  }
0x3d: {  	v3 =	vand.u32 $0x7, v3;
	v4 =	vand.u32 $0xFFFFFFF0, v59  }
0x3e: {  	v3 =	vor.u32 v3, v4  }
0x3f: {  	v4 =	vperm.xlane v3, v0;
	_ =	sdelay $0x1  }
0x40: {  	v3 =	vperm.xlane v3, v2;
	v4 =	vadd.s32 v1, v4;
	_ =	sdelay $0x1  }
0x41: {  	v3 =	vadd.s32 v1, v3;
	_ =	sdelay $0x1  }
0x42: {  	s1 =	simm.s32 $0x3400  }
0x43: {  	[tilespmem:s1], [sflag:$0x1] =	stream.indirect_vreg.gather [hbm4b:s2+s3], $0x80, v4, vm0, $0xb8;
	[tilespmem:$0x18400] =	vst v63  }
0x44: {  	s19 =	simm.s32 $0x3C00  }
0x45: {  	[tilespmem:s19], [sflag:$0x1] =	stream.indirect_vreg.gather [hbm4b:s2+s3], $0x80, v3, vm0, $0xb8;
	[tilespmem:$0x18400] =	vst v63  }
0x46: {  	v3 =	vld [tilespmem:$0x40];
	_ =	sdelay $0x4  }
0x47: {  	v60 =	vshll.u32 v3, $0x1  }
0x48: {  	v3 =	vand.u32 $0x7, v3;
	v4 =	vand.u32 $0xFFFFFFF0, v60  }
0x49: {  	v3 =	vor.u32 v3, v4  }
0x4a: {  	v4 =	vperm.xlane v3, v0;
	_ =	sdelay $0x1  }
0x4b: {  	v3 =	vperm.xlane v3, v2;
	v4 =	vadd.s32 v1, v4;
	_ =	sdelay $0x1  }
0x4c: {  	v3 =	vadd.s32 v1, v3;
	_ =	sdelay $0x2  }
0x4d: {  	[tilespmem:s29], [sflag:$0x1] =	stream.indirect_vreg.gather [hbm4b:s2+s3], $0x80, v4, vm0, $0xb8;
	[tilespmem:$0x18400] =	vst v63  }
0x4e: {  	_ = 	snop  }
0x4f: {  	[tilespmem:s30], [sflag:$0x1] =	stream.indirect_vreg.gather [hbm4b:s2+s3], $0x80, v3, vm0, $0xb8;
	[tilespmem:$0x18400] =	vst v63  }
0x50: {  	v3 =	vld [tilespmem:$0x50];
	_ =	sdelay $0x4  }
0x51: {  	v61 =	vshll.u32 v3, $0x1  }
0x52: {  	v3 =	vand.u32 $0x7, v3;
	v4 =	vand.u32 $0xFFFFFFF0, v61  }
0x53: {  	v3 =	vor.u32 v3, v4  }
0x54: {  	v4 =	vperm.xlane v3, v0;
	_ =	sdelay $0x1  }
0x55: {  	v3 =	vperm.xlane v3, v2;
	v4 =	vadd.s32 v1, v4;
	_ =	sdelay $0x1  }
0x56: {  	v3 =	vadd.s32 v1, v3;
	_ =	sdelay $0x2  }
0x57: {  	[tilespmem:s31], [sflag:$0x1] =	stream.indirect_vreg.gather [hbm4b:s2+s3], $0x80, v4, vm0, $0xb8;
	[tilespmem:$0x18400] =	vst v63  }
0x58: {  	s1 =	simm.s32 $0x5C00  }
0x59: {  	[tilespmem:s1], [sflag:$0x1] =	stream.indirect_vreg.gather [hbm4b:s2+s3], $0x80, v3, vm0, $0xb8;
	[tilespmem:$0x18400] =	vst v63  }
0x5a: {  	v3 =	vld [tilespmem:$0x60];
	_ =	sdelay $0x4  }
0x5b: {  	v62 =	vshll.u32 v3, $0x1  }
0x5c: {  	v3 =	vand.u32 $0x7, v3;
	v4 =	vand.u32 $0xFFFFFFF0, v62  }
0x5d: {  	v3 =	vor.u32 v3, v4  }
0x5e: {  	v4 =	vperm.xlane v3, v0;
	_ =	sdelay $0x1  }
0x5f: {  	v3 =	vperm.xlane v3, v2;
	v4 =	vadd.s32 v1, v4;
	_ =	sdelay $0x1  }
0x60: {  	v3 =	vadd.s32 v1, v3;
	_ =	sdelay $0x1  }
0x61: {  	s19 =	simm.s32 $0x6400  }
0x62: {  	[tilespmem:s19], [sflag:$0x1] =	stream.indirect_vreg.gather [hbm4b:s2+s3], $0x80, v4, vm0, $0xb8;
	[tilespmem:$0x18400] =	vst v63  }
0x63: {  	s1 =	simm.s32 $0x6C00  }
0x64: {  	[tilespmem:s1], [sflag:$0x1] =	stream.indirect_vreg.gather [hbm4b:s2+s3], $0x80, v3, vm0, $0xb8;
	[tilespmem:$0x18400] =	vst v63  }
0x65: {  	v3 =	vld [tilespmem:$0x70];
	_ =	sdelay $0x4  }
0x66: {  	v63 =	vshll.u32 v3, $0x1  }
0x67: {  	v3 =	vand.u32 $0x7, v3;
	v4 =	vand.u32 $0xFFFFFFF0, v63  }
0x68: {  	v3 =	vor.u32 v3, v4  }
0x69: {  	v4 =	vperm.xlane v3, v0;
	_ =	sdelay $0x1  }
0x6a: {  	v3 =	vperm.xlane v3, v2;
	v4 =	vadd.s32 v1, v4;
	_ =	sdelay $0x1  }
0x6b: {  	v3 =	vadd.s32 v1, v3;
	_ =	sdelay $0x1  }
0x6c: {  	s19 =	simm.s32 $0x7400  }
0x6d: {  	[tilespmem:s19], [sflag:$0x1] =	stream.indirect_vreg.gather [hbm4b:s2+s3], $0x80, v4, vm0, $0xb8;
	[tilespmem:$0x18400] =	vst v63  }
0x6e: {  	s1 =	simm.s32 $0x7C00  }
0x6f: {  	[tilespmem:s1], [sflag:$0x1] =	stream.indirect_vreg.gather [hbm4b:s2+s3], $0x80, v3, vm0, $0xb8;
	[tilespmem:$0x18400] =	vst v63  }
0x70: {  	v3 =	vld [tilespmem:$0x80];
	_ =	sdelay $0x4  }
0x71: {  	v8 =	vshll.u32 v3, $0x1  }
0x72: {  	v3 =	vand.u32 $0x7, v3;
	v4 =	vand.u32 $0xFFFFFFF0, v8  }
0x73: {  	v3 =	vor.u32 v3, v4  }
0x74: {  	v4 =	vperm.xlane v3, v0;
	_ =	sdelay $0x1  }
0x75: {  	v3 =	vperm.xlane v3, v2;
	v4 =	vadd.s32 v1, v4;
	_ =	sdelay $0x1  }
0x76: {  	v3 =	vadd.s32 v1, v3;
	_ =	sdelay $0x2  }
0x77: {  	[tilespmem:s23], [sflag:$0x2] =	stream.indirect_vreg.gather [hbm4b:s2+s3], $0x80, v4, vm0, $0xb8;
	[tilespmem:$0x18400] =	vst v63  }
0x78: {  	s19 =	simm.s32 $0x8C00  }
0x79: {  	[tilespmem:s19], [sflag:$0x2] =	stream.indirect_vreg.gather [hbm4b:s2+s3], $0x80, v3, vm0, $0xb8;
	[tilespmem:$0x18400] =	vst v63  }
0x7a: {  	v3 =	vld [tilespmem:$0x90];
	_ =	sdelay $0x4  }
0x7b: {  	v9 =	vshll.u32 v3, $0x1  }
0x7c: {  	v3 =	vand.u32 $0x7, v3;
	v4 =	vand.u32 $0xFFFFFFF0, v9  }
0x7d: {  	v3 =	vor.u32 v3, v4  }
0x7e: {  	v4 =	vperm.xlane v3, v0;
	_ =	sdelay $0x1  }
0x7f: {  	v3 =	vperm.xlane v3, v2;
	v4 =	vadd.s32 v1, v4;
	_ =	sdelay $0x1  }
0x80: {  	v3 =	vadd.s32 v1, v3;
	_ =	sdelay $0x1  }
0x81: {  	s1 =	simm.s32 $0x9400  }
0x82: {  	[tilespmem:s1], [sflag:$0x2] =	stream.indirect_vreg.gather [hbm4b:s2+s3], $0x80, v4, vm0, $0xb8;
	[tilespmem:$0x18400] =	vst v63  }
0x83: {  	s19 =	simm.s32 $0x9C00  }
0x84: {  	[tilespmem:s19], [sflag:$0x2] =	stream.indirect_vreg.gather [hbm4b:s2+s3], $0x80, v3, vm0, $0xb8;
	[tilespmem:$0x18400] =	vst v63  }
0x85: {  	v3 =	vld [tilespmem:$0xA0];
	_ =	sdelay $0x4  }
0x86: {  	v10 =	vshll.u32 v3, $0x1  }
0x87: {  	v3 =	vand.u32 $0x7, v3;
	v4 =	vand.u32 $0xFFFFFFF0, v10  }
0x88: {  	v3 =	vor.u32 v3, v4  }
0x89: {  	v4 =	vperm.xlane v3, v0;
	_ =	sdelay $0x1  }
0x8a: {  	v3 =	vperm.xlane v3, v2;
	v4 =	vadd.s32 v1, v4;
	_ =	sdelay $0x1  }
0x8b: {  	v3 =	vadd.s32 v1, v3;
	_ =	sdelay $0x1  }
0x8c: {  	s1 =	simm.s32 $0xA400  }
0x8d: {  	[tilespmem:s1], [sflag:$0x2] =	stream.indirect_vreg.gather [hbm4b:s2+s3], $0x80, v4, vm0, $0xb8;
	[tilespmem:$0x18400] =	vst v63  }
0x8e: {  	s19 =	simm.s32 $0xAC00  }
0x8f: {  	[tilespmem:s19], [sflag:$0x2] =	stream.indirect_vreg.gather [hbm4b:s2+s3], $0x80, v3, vm0, $0xb8;
	[tilespmem:$0x18400] =	vst v63  }
0x90: {  	v3 =	vld [tilespmem:$0xB0];
	_ =	sdelay $0x4  }
0x91: {  	v11 =	vshll.u32 v3, $0x1  }
0x92: {  	v3 =	vand.u32 $0x7, v3;
	v4 =	vand.u32 $0xFFFFFFF0, v11  }
0x93: {  	v3 =	vor.u32 v3, v4  }
0x94: {  	v4 =	vperm.xlane v3, v0;
	_ =	sdelay $0x1  }
0x95: {  	v3 =	vperm.xlane v3, v2;
	v4 =	vadd.s32 v1, v4;
	_ =	sdelay $0x1  }
0x96: {  	v3 =	vadd.s32 v1, v3;
	_ =	sdelay $0x1  }
0x97: {  	s1 =	simm.s32 $0xB400  }
0x98: {  	[tilespmem:s1], [sflag:$0x2] =	stream.indirect_vreg.gather [hbm4b:s2+s3], $0x80, v4, vm0, $0xb8;
	[tilespmem:$0x18400] =	vst v63  }
0x99: {  	s19 =	simm.s32 $0xBC00  }
0x9a: {  	[tilespmem:s19], [sflag:$0x2] =	stream.indirect_vreg.gather [hbm4b:s2+s3], $0x80, v3, vm0, $0xb8;
	[tilespmem:$0x18400] =	vst v63  }
0x9b: {  	v3 =	vld [tilespmem:$0xC0];
	_ =	sdelay $0x4  }
0x9c: {  	v12 =	vshll.u32 v3, $0x1  }
0x9d: {  	v3 =	vand.u32 $0x7, v3;
	v4 =	vand.u32 $0xFFFFFFF0, v12  }
0x9e: {  	v3 =	vor.u32 v3, v4  }
0x9f: {  	v4 =	vperm.xlane v3, v0;
	_ =	sdelay $0x1  }
0xa0: {  	v3 =	vperm.xlane v3, v2;
	v4 =	vadd.s32 v1, v4;
	_ =	sdelay $0x1  }
0xa1: {  	v3 =	vadd.s32 v1, v3;
	_ =	sdelay $0x1  }
0xa2: {  	s1 =	simm.s32 $0xC400  }
0xa3: {  	[tilespmem:s1], [sflag:$0x2] =	stream.indirect_vreg.gather [hbm4b:s2+s3], $0x80, v4, vm0, $0xb8;
	[tilespmem:$0x18400] =	vst v63  }
0xa4: {  	s19 =	simm.s32 $0xCC00  }
0xa5: {  	[tilespmem:s19], [sflag:$0x2] =	stream.indirect_vreg.gather [hbm4b:s2+s3], $0x80, v3, vm0, $0xb8;
	[tilespmem:$0x18400] =	vst v63  }
0xa6: {  	v3 =	vld [tilespmem:$0xD0];
	_ =	sdelay $0x4  }
0xa7: {  	v13 =	vshll.u32 v3, $0x1  }
0xa8: {  	v3 =	vand.u32 $0x7, v3;
	v4 =	vand.u32 $0xFFFFFFF0, v13  }
0xa9: {  	v3 =	vor.u32 v3, v4  }
0xaa: {  	v4 =	vperm.xlane v3, v0;
	_ =	sdelay $0x1  }
0xab: {  	v3 =	vperm.xlane v3, v2;
	v4 =	vadd.s32 v1, v4;
	_ =	sdelay $0x1  }
0xac: {  	v3 =	vadd.s32 v1, v3;
	_ =	sdelay $0x1  }
0xad: {  	s1 =	simm.s32 $0xD400  }
0xae: {  	[tilespmem:s1], [sflag:$0x2] =	stream.indirect_vreg.gather [hbm4b:s2+s3], $0x80, v4, vm0, $0xb8;
	[tilespmem:$0x18400] =	vst v63  }
0xaf: {  	s19 =	simm.s32 $0xDC00  }
0xb0: {  	[tilespmem:s19], [sflag:$0x2] =	stream.indirect_vreg.gather [hbm4b:s2+s3], $0x80, v3, vm0, $0xb8;
	[tilespmem:$0x18400] =	vst v63  }
0xb1: {  	v3 =	vld [tilespmem:$0xE0];
	_ =	sdelay $0x4  }
0xb2: {  	v14 =	vshll.u32 v3, $0x1  }
0xb3: {  	v3 =	vand.u32 $0x7, v3;
	v4 =	vand.u32 $0xFFFFFFF0, v14  }
0xb4: {  	v3 =	vor.u32 v3, v4  }
0xb5: {  	v4 =	vperm.xlane v3, v0;
	_ =	sdelay $0x1  }
0xb6: {  	v3 =	vperm.xlane v3, v2;
	v4 =	vadd.s32 v1, v4;
	_ =	sdelay $0x1  }
0xb7: {  	v3 =	vadd.s32 v1, v3;
	_ =	sdelay $0x1  }
0xb8: {  	s1 =	simm.s32 $0xE400  }
0xb9: {  	[tilespmem:s1], [sflag:$0x2] =	stream.indirect_vreg.gather [hbm4b:s2+s3], $0x80, v4, vm0, $0xb8;
	[tilespmem:$0x18400] =	vst v63  }
0xba: {  	s19 =	simm.s32 $0xEC00  }
0xbb: {  	[tilespmem:s19], [sflag:$0x2] =	stream.indirect_vreg.gather [hbm4b:s2+s3], $0x80, v3, vm0, $0xb8;
	[tilespmem:$0x18400] =	vst v63  }
0xbc: {  	v3 =	vld [tilespmem:$0xF0];
	_ =	sdelay $0x4  }
0xbd: {  	v15 =	vshll.u32 v3, $0x1  }
0xbe: {  	v3 =	vand.u32 $0x7, v3;
	v4 =	vand.u32 $0xFFFFFFF0, v15  }
0xbf: {  	v3 =	vor.u32 v3, v4  }
0xc0: {  	v4 =	vperm.xlane v3, v0;
	_ =	sdelay $0x1  }
0xc1: {  	v3 =	vperm.xlane v3, v2;
	v4 =	vadd.s32 v1, v4;
	_ =	sdelay $0x1  }
0xc2: {  	v3 =	vadd.s32 v1, v3;
	_ =	sdelay $0x1  }
0xc3: {  	s1 =	simm.s32 $0xF400  }
0xc4: {  	[tilespmem:s1], [sflag:$0x2] =	stream.indirect_vreg.gather [hbm4b:s2+s3], $0x80, v4, vm0, $0xb8;
	[tilespmem:$0x18400] =	vst v63  }
0xc5: {  	s19 =	simm.s32 $0xFC00  }
0xc6: {  	[tilespmem:s19], [sflag:$0x2] =	stream.indirect_vreg.gather [hbm4b:s2+s3], $0x80, v3, vm0, $0xb8;
	[tilespmem:$0x18400] =	vst v63  }
0xc7: {  	_ =	swait.ge [sflag:s12], $0x8000  }
0xc8: {  	[sflag:s12] =	ssyncset.done $0x0  }
0xc9: {  	s0 =	rddreg [dreg:$0xc];
	[sflag:s12] =	ssyncadd.s32 $0xFFFF8000  }
0xca: {  	[hbm4b:s0+s3] =	stream.linear.scatter [tilespmem:s28], [sflag:$0x4], $0x8000, $0x38;
	[tilespmem:$0x18400] =	vst v63  }
0xcb: {  	v3 =	vld [tilespmem:$0x100];
	_ =	sdelay $0x4  }
0xcc: {  	v16 =	vshll.u32 v3, $0x1  }
0xcd: {  	v3 =	vand.u32 $0x7, v3;
	v4 =	vand.u32 $0xFFFFFFF0, v16  }
0xce: {  	v3 =	vor.u32 v3, v4  }
0xcf: {  	v4 =	vperm.xlane v3, v0;
	_ =	sdelay $0x1  }
0xd0: {  	v3 =	vperm.xlane v3, v2;
	v4 =	vadd.s32 v1, v4;
	_ =	sdelay $0x1  }
0xd1: {  	v3 =	vadd.s32 v1, v3;
	_ =	sdelay $0x1  }
0xd2: {  	s0 =	simm.s32 $0x10400  }
0xd3: {  	[tilespmem:s0], [sflag:$0x3] =	stream.indirect_vreg.gather [hbm4b:s2+s3], $0x80, v4, vm0, $0xb8;
	[tilespmem:$0x18400] =	vst v63  }
0xd4: {  	s1 =	simm.s32 $0x10C00  }
0xd5: {  	[tilespmem:s1], [sflag:$0x3] =	stream.indirect_vreg.gather [hbm4b:s2+s3], $0x80, v3, vm0, $0xb8;
	[tilespmem:$0x18400] =	vst v63  }
0xd6: {  	v3 =	vld [tilespmem:$0x110];
	_ =	sdelay $0x4  }
0xd7: {  	v17 =	vshll.u32 v3, $0x1  }
0xd8: {  	v3 =	vand.u32 $0x7, v3;
	v4 =	vand.u32 $0xFFFFFFF0, v17  }
0xd9: {  	v3 =	vor.u32 v3, v4  }
0xda: {  	v4 =	vperm.xlane v3, v0;
	_ =	sdelay $0x1  }
0xdb: {  	v3 =	vperm.xlane v3, v2;
	v4 =	vadd.s32 v1, v4;
	_ =	sdelay $0x1  }
0xdc: {  	v3 =	vadd.s32 v1, v3;
	_ =	sdelay $0x2  }
0xdd: {  	[tilespmem:s4], [sflag:$0x3] =	stream.indirect_vreg.gather [hbm4b:s2+s3], $0x80, v4, vm0, $0xb8;
	[tilespmem:$0x18400] =	vst v63  }
0xde: {  	_ = 	snop  }
0xdf: {  	[tilespmem:s6], [sflag:$0x3] =	stream.indirect_vreg.gather [hbm4b:s2+s3], $0x80, v3, vm0, $0xb8;
	[tilespmem:$0x18400] =	vst v63  }
0xe0: {  	v3 =	vld [tilespmem:$0x120];
	_ =	sdelay $0x4  }
0xe1: {  	v18 =	vshll.u32 v3, $0x1  }
0xe2: {  	v3 =	vand.u32 $0x7, v3;
	v4 =	vand.u32 $0xFFFFFFF0, v18  }
0xe3: {  	v3 =	vor.u32 v3, v4  }
0xe4: {  	v4 =	vperm.xlane v3, v0;
	_ =	sdelay $0x1  }
0xe5: {  	v3 =	vperm.xlane v3, v2;
	v4 =	vadd.s32 v1, v4;
	_ =	sdelay $0x1  }
0xe6: {  	v3 =	vadd.s32 v1, v3;
	_ =	sdelay $0x2  }
0xe7: {  	[tilespmem:s7], [sflag:$0x3] =	stream.indirect_vreg.gather [hbm4b:s2+s3], $0x80, v4, vm0, $0xb8;
	[tilespmem:$0x18400] =	vst v63  }
0xe8: {  	_ = 	snop  }
0xe9: {  	[tilespmem:s8], [sflag:$0x3] =	stream.indirect_vreg.gather [hbm4b:s2+s3], $0x80, v3, vm0, $0xb8;
	[tilespmem:$0x18400] =	vst v63  }
0xea: {  	v3 =	vld [tilespmem:$0x130];
	_ =	sdelay $0x4  }
0xeb: {  	v19 =	vshll.u32 v3, $0x1  }
0xec: {  	v3 =	vand.u32 $0x7, v3;
	v4 =	vand.u32 $0xFFFFFFF0, v19  }
0xed: {  	v3 =	vor.u32 v3, v4  }
0xee: {  	v4 =	vperm.xlane v3, v0;
	_ =	sdelay $0x1  }
0xef: {  	v3 =	vperm.xlane v3, v2;
	v4 =	vadd.s32 v1, v4;
	_ =	sdelay $0x1  }
0xf0: {  	v3 =	vadd.s32 v1, v3;
	_ =	sdelay $0x2  }
0xf1: {  	[tilespmem:s9], [sflag:$0x3] =	stream.indirect_vreg.gather [hbm4b:s2+s3], $0x80, v4, vm0, $0xb8;
	[tilespmem:$0x18400] =	vst v63  }
0xf2: {  	_ = 	snop  }
0xf3: {  	[tilespmem:s10], [sflag:$0x3] =	stream.indirect_vreg.gather [hbm4b:s2+s3], $0x80, v3, vm0, $0xb8;
	[tilespmem:$0x18400] =	vst v63  }
0xf4: {  	v3 =	vld [tilespmem:$0x140];
	_ =	sdelay $0x4  }
0xf5: {  	v20 =	vshll.u32 v3, $0x1  }
0xf6: {  	v3 =	vand.u32 $0x7, v3;
	v4 =	vand.u32 $0xFFFFFFF0, v20  }
0xf7: {  	v3 =	vor.u32 v3, v4  }
0xf8: {  	v4 =	vperm.xlane v3, v0;
	_ =	sdelay $0x1  }
0xf9: {  	v3 =	vperm.xlane v3, v2;
	v4 =	vadd.s32 v1, v4;
	_ =	sdelay $0x1  }
0xfa: {  	v3 =	vadd.s32 v1, v3;
	_ =	sdelay $0x2  }
0xfb: {  	[tilespmem:s11], [sflag:$0x3] =	stream.indirect_vreg.gather [hbm4b:s2+s3], $0x80, v4, vm0, $0xb8;
	[tilespmem:$0x18400] =	vst v63  }
0xfc: {  	_ = 	snop  }
0xfd: {  	[tilespmem:s13], [sflag:$0x3] =	stream.indirect_vreg.gather [hbm4b:s2+s3], $0x80, v3, vm0, $0xb8;
	[tilespmem:$0x18400] =	vst v63  }
0xfe: {  	v3 =	vld [tilespmem:$0x150];
	_ =	sdelay $0x4  }
0xff: {  	v21 =	vshll.u32 v3, $0x1  }
0x100: {  	v3 =	vand.u32 $0x7, v3;
	v4 =	vand.u32 $0xFFFFFFF0, v21  }
0x101: {  	v3 =	vor.u32 v3, v4  }
0x102: {  	v4 =	vperm.xlane v3, v0;
	_ =	sdelay $0x1  }
0x103: {  	v3 =	vperm.xlane v3, v2;
	v4 =	vadd.s32 v1, v4;
	_ =	sdelay $0x1  }
0x104: {  	v3 =	vadd.s32 v1, v3;
	_ =	sdelay $0x2  }
0x105: {  	[tilespmem:s20], [sflag:$0x3] =	stream.indirect_vreg.gather [hbm4b:s2+s3], $0x80, v4, vm0, $0xb8;
	[tilespmem:$0x18400] =	vst v63  }
0x106: {  	_ = 	snop  }
0x107: {  	[tilespmem:s21], [sflag:$0x3] =	stream.indirect_vreg.gather [hbm4b:s2+s3], $0x80, v3, vm0, $0xb8;
	[tilespmem:$0x18400] =	vst v63  }
0x108: {  	v3 =	vld [tilespmem:$0x160];
	_ =	sdelay $0x4  }
0x109: {  	v22 =	vshll.u32 v3, $0x1  }
0x10a: {  	v3 =	vand.u32 $0x7, v3;
	v4 =	vand.u32 $0xFFFFFFF0, v22  }
0x10b: {  	v3 =	vor.u32 v3, v4  }
0x10c: {  	v4 =	vperm.xlane v3, v0;
	_ =	sdelay $0x1  }
0x10d: {  	v3 =	vperm.xlane v3, v2;
	v4 =	vadd.s32 v1, v4;
	_ =	sdelay $0x1  }
0x10e: {  	v3 =	vadd.s32 v1, v3;
	_ =	sdelay $0x2  }
0x10f: {  	[tilespmem:s22], [sflag:$0x3] =	stream.indirect_vreg.gather [hbm4b:s2+s3], $0x80, v4, vm0, $0xb8;
	[tilespmem:$0x18400] =	vst v63  }
0x110: {  	_ = 	snop  }
0x111: {  	[tilespmem:s24], [sflag:$0x3] =	stream.indirect_vreg.gather [hbm4b:s2+s3], $0x80, v3, vm0, $0xb8;
	[tilespmem:$0x18400] =	vst v63  }
0x112: {  	v3 =	vld [tilespmem:$0x170];
	_ =	sdelay $0x4  }
0x113: {  	v23 =	vshll.u32 v3, $0x1  }
0x114: {  	v3 =	vand.u32 $0x7, v3;
	v4 =	vand.u32 $0xFFFFFFF0, v23  }
0x115: {  	v3 =	vor.u32 v3, v4  }
0x116: {  	v4 =	vperm.xlane v3, v0;
	_ =	sdelay $0x1  }
0x117: {  	v3 =	vperm.xlane v3, v2;
	v4 =	vadd.s32 v1, v4;
	_ =	sdelay $0x1  }
0x118: {  	v3 =	vadd.s32 v1, v3;
	_ =	sdelay $0x2  }
0x119: {  	[tilespmem:s25], [sflag:$0x3] =	stream.indirect_vreg.gather [hbm4b:s2+s3], $0x80, v4, vm0, $0xb8;
	[tilespmem:$0x18400] =	vst v63  }
0x11a: {  	_ = 	snop  }
0x11b: {  	[tilespmem:s26], [sflag:$0x3] =	stream.indirect_vreg.gather [hbm4b:s2+s3], $0x80, v3, vm0, $0xb8;
	[tilespmem:$0x18400] =	vst v63  }
0x11c: {  	_ =	swait.ge [sflag:s14], $0x8000  }
0x11d: {  	[sflag:s14] =	ssyncset.done $0x0  }
0x11e: {  	s19 =	rddreg [dreg:$0x5];
	[sflag:s14] =	ssyncadd.s32 $0xFFFF8000  }
0x11f: {  	[hbm4b:s19+s3] =	stream.linear.scatter [tilespmem:s23], [sflag:$0x5], $0x8000, $0x38;
	[tilespmem:$0x18400] =	vst v63  }
0x120: {  	_ =	swait.ge [sflag:s15], $0x8000  }
0x121: {  	[sflag:s15] =	ssyncset.done $0x0  }
0x122: {  	[sflag:s15] =	ssyncadd.s32 $0xFFFF8000  }
0x123: {  	v3 =	vld [tilespmem:$0x180];
	_ =	sdelay $0x4  }
0x124: {  	v24 =	vshll.u32 v3, $0x1  }
0x125: {  	v3 =	vand.u32 $0x7, v3;
	v4 =	vand.u32 $0xFFFFFFF0, v24  }
0x126: {  	v3 =	vor.u32 v3, v4  }
0x127: {  	v4 =	vperm.xlane v3, v0;
	_ =	sdelay $0x1  }
0x128: {  	v3 =	vperm.xlane v3, v2;
	v4 =	vadd.s32 v1, v4;
	_ =	sdelay $0x1  }
0x129: {  	v3 =	vadd.s32 v1, v3;
	_ =	sdelay $0x2  }
0x12a: {  	[tilespmem:s28], [sflag:$0x1] =	stream.indirect_vreg.gather [hbm4b:s2+s3], $0x80, v4, vm0, $0xb8;
	[tilespmem:$0x18400] =	vst v63  }
0x12b: {  	s19 =	simm.s32 $0xC00  }
0x12c: {  	[tilespmem:s19], [sflag:$0x1] =	stream.indirect_vreg.gather [hbm4b:s2+s3], $0x80, v3, vm0, $0xb8;
	[tilespmem:$0x18400] =	vst v63  }
0x12d: {  	v3 =	vld [tilespmem:$0x190];
	_ =	sdelay $0x4  }
0x12e: {  	v25 =	vshll.u32 v3, $0x1  }
0x12f: {  	v3 =	vand.u32 $0x7, v3;
	v4 =	vand.u32 $0xFFFFFFF0, v25  }
0x130: {  	v3 =	vor.u32 v3, v4  }
0x131: {  	v4 =	vperm.xlane v3, v0;
	_ =	sdelay $0x1  }
0x132: {  	v3 =	vperm.xlane v3, v2;
	v4 =	vadd.s32 v1, v4;
	_ =	sdelay $0x1  }
0x133: {  	v3 =	vadd.s32 v1, v3;
	_ =	sdelay $0x1  }
0x134: {  	s19 =	simm.s32 $0x1400  }
0x135: {  	[tilespmem:s19], [sflag:$0x1] =	stream.indirect_vreg.gather [hbm4b:s2+s3], $0x80, v4, vm0, $0xb8;
	[tilespmem:$0x18400] =	vst v63  }
0x136: {  	s19 =	simm.s32 $0x1C00  }
0x137: {  	[tilespmem:s19], [sflag:$0x1] =	stream.indirect_vreg.gather [hbm4b:s2+s3], $0x80, v3, vm0, $0xb8;
	[tilespmem:$0x18400] =	vst v63  }
0x138: {  	v3 =	vld [tilespmem:$0x1A0];
	_ =	sdelay $0x4  }
0x139: {  	v26 =	vshll.u32 v3, $0x1  }
0x13a: {  	v3 =	vand.u32 $0x7, v3;
	v4 =	vand.u32 $0xFFFFFFF0, v26  }
0x13b: {  	v3 =	vor.u32 v3, v4  }
0x13c: {  	v4 =	vperm.xlane v3, v0;
	_ =	sdelay $0x1  }
0x13d: {  	v3 =	vperm.xlane v3, v2;
	v4 =	vadd.s32 v1, v4;
	_ =	sdelay $0x1  }
0x13e: {  	v3 =	vadd.s32 v1, v3;
	_ =	sdelay $0x1  }
0x13f: {  	s19 =	simm.s32 $0x2400  }
0x140: {  	[tilespmem:s19], [sflag:$0x1] =	stream.indirect_vreg.gather [hbm4b:s2+s3], $0x80, v4, vm0, $0xb8;
	[tilespmem:$0x18400] =	vst v63  }
0x141: {  	s19 =	simm.s32 $0x2C00  }
0x142: {  	[tilespmem:s19], [sflag:$0x1] =	stream.indirect_vreg.gather [hbm4b:s2+s3], $0x80, v3, vm0, $0xb8;
	[tilespmem:$0x18400] =	vst v63  }
0x143: {  	v3 =	vld [tilespmem:$0x1B0];
	_ =	sdelay $0x4  }
0x144: {  	v27 =	vshll.u32 v3, $0x1  }
0x145: {  	v3 =	vand.u32 $0x7, v3;
	v4 =	vand.u32 $0xFFFFFFF0, v27  }
0x146: {  	v3 =	vor.u32 v3, v4  }
0x147: {  	v4 =	vperm.xlane v3, v0;
	_ =	sdelay $0x1  }
0x148: {  	v3 =	vperm.xlane v3, v2;
	v4 =	vadd.s32 v1, v4;
	_ =	sdelay $0x1  }
0x149: {  	v3 =	vadd.s32 v1, v3;
	_ =	sdelay $0x1  }
0x14a: {  	s19 =	simm.s32 $0x3400  }
0x14b: {  	[tilespmem:s19], [sflag:$0x1] =	stream.indirect_vreg.gather [hbm4b:s2+s3], $0x80, v4, vm0, $0xb8;
	[tilespmem:$0x18400] =	vst v63  }
0x14c: {  	s19 =	simm.s32 $0x3C00  }
0x14d: {  	[tilespmem:s19], [sflag:$0x1] =	stream.indirect_vreg.gather [hbm4b:s2+s3], $0x80, v3, vm0, $0xb8;
	[tilespmem:$0x18400] =	vst v63  }
0x14e: {  	v3 =	vld [tilespmem:$0x1C0];
	_ =	sdelay $0x4  }
0x14f: {  	v28 =	vshll.u32 v3, $0x1  }
0x150: {  	v3 =	vand.u32 $0x7, v3;
	v4 =	vand.u32 $0xFFFFFFF0, v28  }
0x151: {  	v3 =	vor.u32 v3, v4  }
0x152: {  	v4 =	vperm.xlane v3, v0;
	_ =	sdelay $0x1  }
0x153: {  	v3 =	vperm.xlane v3, v2;
	v4 =	vadd.s32 v1, v4;
	_ =	sdelay $0x1  }
0x154: {  	v3 =	vadd.s32 v1, v3;
	_ =	sdelay $0x2  }
0x155: {  	[tilespmem:s29], [sflag:$0x1] =	stream.indirect_vreg.gather [hbm4b:s2+s3], $0x80, v4, vm0, $0xb8;
	[tilespmem:$0x18400] =	vst v63  }
0x156: {  	_ = 	snop  }
0x157: {  	[tilespmem:s30], [sflag:$0x1] =	stream.indirect_vreg.gather [hbm4b:s2+s3], $0x80, v3, vm0, $0xb8;
	[tilespmem:$0x18400] =	vst v63  }
0x158: {  	v3 =	vld [tilespmem:$0x1D0];
	_ =	sdelay $0x4  }
0x159: {  	v29 =	vshll.u32 v3, $0x1  }
0x15a: {  	v3 =	vand.u32 $0x7, v3;
	v4 =	vand.u32 $0xFFFFFFF0, v29  }
0x15b: {  	v3 =	vor.u32 v3, v4  }
0x15c: {  	v4 =	vperm.xlane v3, v0;
	_ =	sdelay $0x1  }
0x15d: {  	v3 =	vperm.xlane v3, v2;
	v4 =	vadd.s32 v1, v4;
	_ =	sdelay $0x1  }
0x15e: {  	v3 =	vadd.s32 v1, v3;
	_ =	sdelay $0x2  }
0x15f: {  	[tilespmem:s31], [sflag:$0x1] =	stream.indirect_vreg.gather [hbm4b:s2+s3], $0x80, v4, vm0, $0xb8;
	[tilespmem:$0x18400] =	vst v63  }
0x160: {  	s19 =	simm.s32 $0x5C00  }
0x161: {  	[tilespmem:s19], [sflag:$0x1] =	stream.indirect_vreg.gather [hbm4b:s2+s3], $0x80, v3, vm0, $0xb8;
	[tilespmem:$0x18400] =	vst v63  }
0x162: {  	v3 =	vld [tilespmem:$0x1E0];
	_ =	sdelay $0x4  }
0x163: {  	v30 =	vshll.u32 v3, $0x1  }
0x164: {  	v3 =	vand.u32 $0x7, v3;
	v4 =	vand.u32 $0xFFFFFFF0, v30  }
0x165: {  	v3 =	vor.u32 v3, v4  }
0x166: {  	v4 =	vperm.xlane v3, v0;
	_ =	sdelay $0x1  }
0x167: {  	v3 =	vperm.xlane v3, v2;
	v4 =	vadd.s32 v1, v4;
	_ =	sdelay $0x1  }
0x168: {  	v3 =	vadd.s32 v1, v3;
	_ =	sdelay $0x1  }
0x169: {  	s19 =	simm.s32 $0x6400  }
0x16a: {  	[tilespmem:s19], [sflag:$0x1] =	stream.indirect_vreg.gather [hbm4b:s2+s3], $0x80, v4, vm0, $0xb8;
	[tilespmem:$0x18400] =	vst v63  }
0x16b: {  	s19 =	simm.s32 $0x6C00  }
0x16c: {  	[tilespmem:s19], [sflag:$0x1] =	stream.indirect_vreg.gather [hbm4b:s2+s3], $0x80, v3, vm0, $0xb8;
	[tilespmem:$0x18400] =	vst v63  }
0x16d: {  	v3 =	vld [tilespmem:$0x1F0];
	_ =	sdelay $0x4  }
0x16e: {  	v31 =	vshll.u32 v3, $0x1  }
0x16f: {  	v3 =	vand.u32 $0x7, v3;
	v4 =	vand.u32 $0xFFFFFFF0, v31  }
0x170: {  	v3 =	vor.u32 v3, v4  }
0x171: {  	v4 =	vperm.xlane v3, v0;
	_ =	sdelay $0x1  }
0x172: {  	v3 =	vperm.xlane v3, v2;
	v4 =	vadd.s32 v1, v4;
	_ =	sdelay $0x1  }
0x173: {  	v3 =	vadd.s32 v1, v3;
	_ =	sdelay $0x1  }
0x174: {  	s19 =	simm.s32 $0x7400  }
0x175: {  	[tilespmem:s19], [sflag:$0x1] =	stream.indirect_vreg.gather [hbm4b:s2+s3], $0x80, v4, vm0, $0xb8;
	[tilespmem:$0x18400] =	vst v63  }
0x176: {  	s19 =	simm.s32 $0x7C00  }
0x177: {  	[tilespmem:s19], [sflag:$0x1] =	stream.indirect_vreg.gather [hbm4b:s2+s3], $0x80, v3, vm0, $0xb8;
	[tilespmem:$0x18400] =	vst v63  }
0x178: {  	_ =	swait.ge [sflag:s16], $0x8000  }
0x179: {  	[sflag:s16] =	ssyncset.done $0x0  }
0x17a: {  	s19 =	rddreg [dreg:$0x6];
	[sflag:s16] =	ssyncadd.s32 $0xFFFF8000  }
0x17b: {  	[hbm4b:s19+s3] =	stream.linear.scatter [tilespmem:s0], [sflag:$0x6], $0x8000, $0x38;
	[tilespmem:$0x18400] =	vst v63  }
0x17c: {  	_ =	swait.ge [sflag:s17], $0x8000  }
0x17d: {  	[sflag:s17] =	ssyncset.done $0x0  }
0x17e: {  	[sflag:s17] =	ssyncadd.s32 $0xFFFF8000  }
0x17f: {  	v3 =	vld [tilespmem:$0x200];
	_ =	sdelay $0x4  }
0x180: {  	v32 =	vshll.u32 v3, $0x1  }
0x181: {  	v3 =	vand.u32 $0x7, v3;
	v4 =	vand.u32 $0xFFFFFFF0, v32  }
0x182: {  	v3 =	vor.u32 v3, v4  }
0x183: {  	v4 =	vperm.xlane v3, v0;
	_ =	sdelay $0x1  }
0x184: {  	v3 =	vperm.xlane v3, v2;
	v4 =	vadd.s32 v1, v4;
	_ =	sdelay $0x1  }
0x185: {  	v3 =	vadd.s32 v1, v3;
	_ =	sdelay $0x2  }
0x186: {  	[tilespmem:s23], [sflag:$0x2] =	stream.indirect_vreg.gather [hbm4b:s2+s3], $0x80, v4, vm0, $0xb8;
	[tilespmem:$0x18400] =	vst v63  }
0x187: {  	s19 =	simm.s32 $0x8C00  }
0x188: {  	[tilespmem:s19], [sflag:$0x2] =	stream.indirect_vreg.gather [hbm4b:s2+s3], $0x80, v3, vm0, $0xb8;
	[tilespmem:$0x18400] =	vst v63  }
0x189: {  	v3 =	vld [tilespmem:$0x210];
	_ =	sdelay $0x4  }
0x18a: {  	v33 =	vshll.u32 v3, $0x1  }
0x18b: {  	v3 =	vand.u32 $0x7, v3;
	v4 =	vand.u32 $0xFFFFFFF0, v33  }
0x18c: {  	v3 =	vor.u32 v3, v4  }
0x18d: {  	v4 =	vperm.xlane v3, v0;
	_ =	sdelay $0x1  }
0x18e: {  	v3 =	vperm.xlane v3, v2;
	v4 =	vadd.s32 v1, v4;
	_ =	sdelay $0x1  }
0x18f: {  	v3 =	vadd.s32 v1, v3;
	_ =	sdelay $0x1  }
0x190: {  	s19 =	simm.s32 $0x9400  }
0x191: {  	[tilespmem:s19], [sflag:$0x2] =	stream.indirect_vreg.gather [hbm4b:s2+s3], $0x80, v4, vm0, $0xb8;
	[tilespmem:$0x18400] =	vst v63  }
0x192: {  	s19 =	simm.s32 $0x9C00  }
0x193: {  	[tilespmem:s19], [sflag:$0x2] =	stream.indirect_vreg.gather [hbm4b:s2+s3], $0x80, v3, vm0, $0xb8;
	[tilespmem:$0x18400] =	vst v63  }
0x194: {  	v3 =	vld [tilespmem:$0x220];
	_ =	sdelay $0x4  }
0x195: {  	v34 =	vshll.u32 v3, $0x1  }
0x196: {  	v3 =	vand.u32 $0x7, v3;
	v4 =	vand.u32 $0xFFFFFFF0, v34  }
0x197: {  	v3 =	vor.u32 v3, v4  }
0x198: {  	v4 =	vperm.xlane v3, v0;
	_ =	sdelay $0x1  }
0x199: {  	v3 =	vperm.xlane v3, v2;
	v4 =	vadd.s32 v1, v4;
	_ =	sdelay $0x1  }
0x19a: {  	v3 =	vadd.s32 v1, v3;
	_ =	sdelay $0x1  }
0x19b: {  	s19 =	simm.s32 $0xA400  }
0x19c: {  	[tilespmem:s19], [sflag:$0x2] =	stream.indirect_vreg.gather [hbm4b:s2+s3], $0x80, v4, vm0, $0xb8;
	[tilespmem:$0x18400] =	vst v63  }
0x19d: {  	s19 =	simm.s32 $0xAC00  }
0x19e: {  	[tilespmem:s19], [sflag:$0x2] =	stream.indirect_vreg.gather [hbm4b:s2+s3], $0x80, v3, vm0, $0xb8;
	[tilespmem:$0x18400] =	vst v63  }
0x19f: {  	v3 =	vld [tilespmem:$0x230];
	_ =	sdelay $0x4  }
0x1a0: {  	v35 =	vshll.u32 v3, $0x1  }
0x1a1: {  	v3 =	vand.u32 $0x7, v3;
	v4 =	vand.u32 $0xFFFFFFF0, v35  }
0x1a2: {  	v3 =	vor.u32 v3, v4  }
0x1a3: {  	v4 =	vperm.xlane v3, v0;
	_ =	sdelay $0x1  }
0x1a4: {  	v3 =	vperm.xlane v3, v2;
	v4 =	vadd.s32 v1, v4;
	_ =	sdelay $0x1  }
0x1a5: {  	v3 =	vadd.s32 v1, v3;
	_ =	sdelay $0x1  }
0x1a6: {  	s19 =	simm.s32 $0xB400  }
0x1a7: {  	[tilespmem:s19], [sflag:$0x2] =	stream.indirect_vreg.gather [hbm4b:s2+s3], $0x80, v4, vm0, $0xb8;
	[tilespmem:$0x18400] =	vst v63  }
0x1a8: {  	s19 =	simm.s32 $0xBC00  }
0x1a9: {  	[tilespmem:s19], [sflag:$0x2] =	stream.indirect_vreg.gather [hbm4b:s2+s3], $0x80, v3, vm0, $0xb8;
	[tilespmem:$0x18400] =	vst v63  }
0x1aa: {  	v3 =	vld [tilespmem:$0x240];
	_ =	sdelay $0x4  }
0x1ab: {  	v36 =	vshll.u32 v3, $0x1  }
0x1ac: {  	v3 =	vand.u32 $0x7, v3;
	v4 =	vand.u32 $0xFFFFFFF0, v36  }
0x1ad: {  	v3 =	vor.u32 v3, v4  }
0x1ae: {  	v4 =	vperm.xlane v3, v0;
	_ =	sdelay $0x1  }
0x1af: {  	v3 =	vperm.xlane v3, v2;
	v4 =	vadd.s32 v1, v4;
	_ =	sdelay $0x1  }
0x1b0: {  	v3 =	vadd.s32 v1, v3;
	_ =	sdelay $0x1  }
0x1b1: {  	s19 =	simm.s32 $0xC400  }
0x1b2: {  	[tilespmem:s19], [sflag:$0x2] =	stream.indirect_vreg.gather [hbm4b:s2+s3], $0x80, v4, vm0, $0xb8;
	[tilespmem:$0x18400] =	vst v63  }
0x1b3: {  	s19 =	simm.s32 $0xCC00  }
0x1b4: {  	[tilespmem:s19], [sflag:$0x2] =	stream.indirect_vreg.gather [hbm4b:s2+s3], $0x80, v3, vm0, $0xb8;
	[tilespmem:$0x18400] =	vst v63  }
0x1b5: {  	v3 =	vld [tilespmem:$0x250];
	_ =	sdelay $0x4  }
0x1b6: {  	v37 =	vshll.u32 v3, $0x1  }
0x1b7: {  	v3 =	vand.u32 $0x7, v3;
	v4 =	vand.u32 $0xFFFFFFF0, v37  }
0x1b8: {  	v3 =	vor.u32 v3, v4  }
0x1b9: {  	v4 =	vperm.xlane v3, v0;
	_ =	sdelay $0x1  }
0x1ba: {  	v3 =	vperm.xlane v3, v2;
	v4 =	vadd.s32 v1, v4;
	_ =	sdelay $0x1  }
0x1bb: {  	v3 =	vadd.s32 v1, v3;
	_ =	sdelay $0x1  }
0x1bc: {  	s19 =	simm.s32 $0xD400  }
0x1bd: {  	[tilespmem:s19], [sflag:$0x2] =	stream.indirect_vreg.gather [hbm4b:s2+s3], $0x80, v4, vm0, $0xb8;
	[tilespmem:$0x18400] =	vst v63  }
0x1be: {  	s19 =	simm.s32 $0xDC00  }
0x1bf: {  	[tilespmem:s19], [sflag:$0x2] =	stream.indirect_vreg.gather [hbm4b:s2+s3], $0x80, v3, vm0, $0xb8;
	[tilespmem:$0x18400] =	vst v63  }
0x1c0: {  	v3 =	vld [tilespmem:$0x260];
	_ =	sdelay $0x4  }
0x1c1: {  	v38 =	vshll.u32 v3, $0x1  }
0x1c2: {  	v3 =	vand.u32 $0x7, v3;
	v4 =	vand.u32 $0xFFFFFFF0, v38  }
0x1c3: {  	v3 =	vor.u32 v3, v4  }
0x1c4: {  	v4 =	vperm.xlane v3, v0;
	_ =	sdelay $0x1  }
0x1c5: {  	v3 =	vperm.xlane v3, v2;
	v4 =	vadd.s32 v1, v4;
	_ =	sdelay $0x1  }
0x1c6: {  	v3 =	vadd.s32 v1, v3;
	_ =	sdelay $0x1  }
0x1c7: {  	s19 =	simm.s32 $0xE400  }
0x1c8: {  	[tilespmem:s19], [sflag:$0x2] =	stream.indirect_vreg.gather [hbm4b:s2+s3], $0x80, v4, vm0, $0xb8;
	[tilespmem:$0x18400] =	vst v63  }
0x1c9: {  	s19 =	simm.s32 $0xEC00  }
0x1ca: {  	[tilespmem:s19], [sflag:$0x2] =	stream.indirect_vreg.gather [hbm4b:s2+s3], $0x80, v3, vm0, $0xb8;
	[tilespmem:$0x18400] =	vst v63  }
0x1cb: {  	v3 =	vld [tilespmem:$0x270];
	_ =	sdelay $0x4  }
0x1cc: {  	v39 =	vshll.u32 v3, $0x1  }
0x1cd: {  	v3 =	vand.u32 $0x7, v3;
	v4 =	vand.u32 $0xFFFFFFF0, v39  }
0x1ce: {  	v3 =	vor.u32 v3, v4  }
0x1cf: {  	v4 =	vperm.xlane v3, v0;
	_ =	sdelay $0x1  }
0x1d0: {  	v3 =	vperm.xlane v3, v2;
	v4 =	vadd.s32 v1, v4;
	_ =	sdelay $0x1  }
0x1d1: {  	v3 =	vadd.s32 v1, v3;
	_ =	sdelay $0x1  }
0x1d2: {  	s19 =	simm.s32 $0xF400  }
0x1d3: {  	[tilespmem:s19], [sflag:$0x2] =	stream.indirect_vreg.gather [hbm4b:s2+s3], $0x80, v4, vm0, $0xb8;
	[tilespmem:$0x18400] =	vst v63  }
0x1d4: {  	s19 =	simm.s32 $0xFC00  }
0x1d5: {  	[tilespmem:s19], [sflag:$0x2] =	stream.indirect_vreg.gather [hbm4b:s2+s3], $0x80, v3, vm0, $0xb8;
	[tilespmem:$0x18400] =	vst v63  }
0x1d6: {  	_ =	swait.ge [sflag:s12], $0x8000  }
0x1d7: {  	[sflag:s12] =	ssyncset.done $0x0  }
0x1d8: {  	s19 =	rddreg [dreg:$0x7];
	[sflag:s12] =	ssyncadd.s32 $0xFFFF8000  }
0x1d9: {  	[hbm4b:s19+s3] =	stream.linear.scatter [tilespmem:s28], [sflag:$0x4], $0x8000, $0x38;
	[tilespmem:$0x18400] =	vst v63  }
0x1da: {  	_ =	swait.ge [sflag:s18], $0x8000  }
0x1db: {  	[sflag:s18] =	ssyncset.done $0x0  }
0x1dc: {  	[sflag:s18] =	ssyncadd.s32 $0xFFFF8000  }
0x1dd: {  	v3 =	vld [tilespmem:$0x280];
	_ =	sdelay $0x4  }
0x1de: {  	v40 =	vshll.u32 v3, $0x1  }
0x1df: {  	v3 =	vand.u32 $0x7, v3;
	v4 =	vand.u32 $0xFFFFFFF0, v40  }
0x1e0: {  	v3 =	vor.u32 v3, v4  }
0x1e1: {  	v4 =	vperm.xlane v3, v0;
	_ =	sdelay $0x1  }
0x1e2: {  	v3 =	vperm.xlane v3, v2;
	v4 =	vadd.s32 v1, v4;
	_ =	sdelay $0x1  }
0x1e3: {  	v3 =	vadd.s32 v1, v3;
	_ =	sdelay $0x2  }
0x1e4: {  	[tilespmem:s0], [sflag:$0x3] =	stream.indirect_vreg.gather [hbm4b:s2+s3], $0x80, v4, vm0, $0xb8;
	[tilespmem:$0x18400] =	vst v63  }
0x1e5: {  	_ = 	snop  }
0x1e6: {  	[tilespmem:s1], [sflag:$0x3] =	stream.indirect_vreg.gather [hbm4b:s2+s3], $0x80, v3, vm0, $0xb8;
	[tilespmem:$0x18400] =	vst v63  }
0x1e7: {  	v3 =	vld [tilespmem:$0x290];
	_ =	sdelay $0x4  }
0x1e8: {  	v41 =	vshll.u32 v3, $0x1  }
0x1e9: {  	v3 =	vand.u32 $0x7, v3;
	v4 =	vand.u32 $0xFFFFFFF0, v41  }
0x1ea: {  	v3 =	vor.u32 v3, v4  }
0x1eb: {  	v4 =	vperm.xlane v3, v0;
	_ =	sdelay $0x1  }
0x1ec: {  	v3 =	vperm.xlane v3, v2;
	v4 =	vadd.s32 v1, v4;
	_ =	sdelay $0x1  }
0x1ed: {  	v3 =	vadd.s32 v1, v3;
	_ =	sdelay $0x2  }
0x1ee: {  	[tilespmem:s4], [sflag:$0x3] =	stream.indirect_vreg.gather [hbm4b:s2+s3], $0x80, v4, vm0, $0xb8;
	[tilespmem:$0x18400] =	vst v63  }
0x1ef: {  	_ = 	snop  }
0x1f0: {  	[tilespmem:s6], [sflag:$0x3] =	stream.indirect_vreg.gather [hbm4b:s2+s3], $0x80, v3, vm0, $0xb8;
	[tilespmem:$0x18400] =	vst v63  }
0x1f1: {  	v3 =	vld [tilespmem:$0x2A0];
	_ =	sdelay $0x4  }
0x1f2: {  	v42 =	vshll.u32 v3, $0x1  }
0x1f3: {  	v3 =	vand.u32 $0x7, v3;
	v4 =	vand.u32 $0xFFFFFFF0, v42  }
0x1f4: {  	v3 =	vor.u32 v3, v4  }
0x1f5: {  	v4 =	vperm.xlane v3, v0;
	_ =	sdelay $0x1  }
0x1f6: {  	v3 =	vperm.xlane v3, v2;
	v4 =	vadd.s32 v1, v4;
	_ =	sdelay $0x1  }
0x1f7: {  	v3 =	vadd.s32 v1, v3;
	_ =	sdelay $0x2  }
0x1f8: {  	[tilespmem:s7], [sflag:$0x3] =	stream.indirect_vreg.gather [hbm4b:s2+s3], $0x80, v4, vm0, $0xb8;
	[tilespmem:$0x18400] =	vst v63  }
0x1f9: {  	_ = 	snop  }
0x1fa: {  	[tilespmem:s8], [sflag:$0x3] =	stream.indirect_vreg.gather [hbm4b:s2+s3], $0x80, v3, vm0, $0xb8;
	[tilespmem:$0x18400] =	vst v63  }
0x1fb: {  	v3 =	vld [tilespmem:$0x2B0];
	_ =	sdelay $0x4  }
0x1fc: {  	v43 =	vshll.u32 v3, $0x1  }
0x1fd: {  	v3 =	vand.u32 $0x7, v3;
	v4 =	vand.u32 $0xFFFFFFF0, v43  }
0x1fe: {  	v3 =	vor.u32 v3, v4  }
0x1ff: {  	v4 =	vperm.xlane v3, v0;
	_ =	sdelay $0x1  }
0x200: {  	v3 =	vperm.xlane v3, v2;
	v4 =	vadd.s32 v1, v4;
	_ =	sdelay $0x1  }
0x201: {  	v3 =	vadd.s32 v1, v3;
	_ =	sdelay $0x2  }
0x202: {  	[tilespmem:s9], [sflag:$0x3] =	stream.indirect_vreg.gather [hbm4b:s2+s3], $0x80, v4, vm0, $0xb8;
	[tilespmem:$0x18400] =	vst v63  }
0x203: {  	_ = 	snop  }
0x204: {  	[tilespmem:s10], [sflag:$0x3] =	stream.indirect_vreg.gather [hbm4b:s2+s3], $0x80, v3, vm0, $0xb8;
	[tilespmem:$0x18400] =	vst v63  }
0x205: {  	v3 =	vld [tilespmem:$0x2C0];
	_ =	sdelay $0x4  }
0x206: {  	v44 =	vshll.u32 v3, $0x1  }
0x207: {  	v3 =	vand.u32 $0x7, v3;
	v4 =	vand.u32 $0xFFFFFFF0, v44  }
0x208: {  	v3 =	vor.u32 v3, v4  }
0x209: {  	v4 =	vperm.xlane v3, v0;
	_ =	sdelay $0x1  }
0x20a: {  	v3 =	vperm.xlane v3, v2;
	v4 =	vadd.s32 v1, v4;
	_ =	sdelay $0x1  }
0x20b: {  	v3 =	vadd.s32 v1, v3;
	_ =	sdelay $0x2  }
0x20c: {  	[tilespmem:s11], [sflag:$0x3] =	stream.indirect_vreg.gather [hbm4b:s2+s3], $0x80, v4, vm0, $0xb8;
	[tilespmem:$0x18400] =	vst v63  }
0x20d: {  	_ = 	snop  }
0x20e: {  	[tilespmem:s13], [sflag:$0x3] =	stream.indirect_vreg.gather [hbm4b:s2+s3], $0x80, v3, vm0, $0xb8;
	[tilespmem:$0x18400] =	vst v63  }
0x20f: {  	v3 =	vld [tilespmem:$0x2D0];
	_ =	sdelay $0x4  }
0x210: {  	v45 =	vshll.u32 v3, $0x1  }
0x211: {  	v3 =	vand.u32 $0x7, v3;
	v4 =	vand.u32 $0xFFFFFFF0, v45  }
0x212: {  	v3 =	vor.u32 v3, v4  }
0x213: {  	v4 =	vperm.xlane v3, v0;
	_ =	sdelay $0x1  }
0x214: {  	v3 =	vperm.xlane v3, v2;
	v4 =	vadd.s32 v1, v4;
	_ =	sdelay $0x1  }
0x215: {  	v3 =	vadd.s32 v1, v3;
	_ =	sdelay $0x2  }
0x216: {  	[tilespmem:s20], [sflag:$0x3] =	stream.indirect_vreg.gather [hbm4b:s2+s3], $0x80, v4, vm0, $0xb8;
	[tilespmem:$0x18400] =	vst v63  }
0x217: {  	_ = 	snop  }
0x218: {  	[tilespmem:s21], [sflag:$0x3] =	stream.indirect_vreg.gather [hbm4b:s2+s3], $0x80, v3, vm0, $0xb8;
	[tilespmem:$0x18400] =	vst v63  }
0x219: {  	v3 =	vld [tilespmem:$0x2E0];
	_ =	sdelay $0x4  }
0x21a: {  	v46 =	vshll.u32 v3, $0x1  }
0x21b: {  	v3 =	vand.u32 $0x7, v3;
	v4 =	vand.u32 $0xFFFFFFF0, v46  }
0x21c: {  	v3 =	vor.u32 v3, v4  }
0x21d: {  	v4 =	vperm.xlane v3, v0;
	_ =	sdelay $0x1  }
0x21e: {  	v3 =	vperm.xlane v3, v2;
	v4 =	vadd.s32 v1, v4;
	_ =	sdelay $0x1  }
0x21f: {  	v3 =	vadd.s32 v1, v3;
	_ =	sdelay $0x2  }
0x220: {  	[tilespmem:s22], [sflag:$0x3] =	stream.indirect_vreg.gather [hbm4b:s2+s3], $0x80, v4, vm0, $0xb8;
	[tilespmem:$0x18400] =	vst v63  }
0x221: {  	_ = 	snop  }
0x222: {  	[tilespmem:s24], [sflag:$0x3] =	stream.indirect_vreg.gather [hbm4b:s2+s3], $0x80, v3, vm0, $0xb8;
	[tilespmem:$0x18400] =	vst v63  }
0x223: {  	v3 =	vld [tilespmem:$0x2F0];
	_ =	sdelay $0x4  }
0x224: {  	v47 =	vshll.u32 v3, $0x1  }
0x225: {  	v3 =	vand.u32 $0x7, v3;
	v4 =	vand.u32 $0xFFFFFFF0, v47  }
0x226: {  	v3 =	vor.u32 v3, v4  }
0x227: {  	v4 =	vperm.xlane v3, v0;
	_ =	sdelay $0x1  }
0x228: {  	v3 =	vperm.xlane v3, v2;
	v4 =	vadd.s32 v1, v4;
	_ =	sdelay $0x1  }
0x229: {  	v3 =	vadd.s32 v1, v3;
	_ =	sdelay $0x2  }
0x22a: {  	[tilespmem:s25], [sflag:$0x3] =	stream.indirect_vreg.gather [hbm4b:s2+s3], $0x80, v4, vm0, $0xb8;
	[tilespmem:$0x18400] =	vst v63  }
0x22b: {  	_ = 	snop  }
0x22c: {  	[tilespmem:s26], [sflag:$0x3] =	stream.indirect_vreg.gather [hbm4b:s2+s3], $0x80, v3, vm0, $0xb8;
	[tilespmem:$0x18400] =	vst v63  }
0x22d: {  	_ =	swait.ge [sflag:s14], $0x8000  }
0x22e: {  	[sflag:s14] =	ssyncset.done $0x0  }
0x22f: {  	s1 =	rddreg [dreg:$0x8];
	[sflag:s14] =	ssyncadd.s32 $0xFFFF8000  }
0x230: {  	[hbm4b:s1+s3] =	stream.linear.scatter [tilespmem:s23], [sflag:$0x5], $0x8000, $0x38;
	[tilespmem:$0x18400] =	vst v63  }
0x231: {  	_ =	swait.ge [sflag:s15], $0x8000  }
0x232: {  	[sflag:s15] =	ssyncset.done $0x0  }
0x233: {  	[sflag:s15] =	ssyncadd.s32 $0xFFFF8000  }
0x234: {  	v3 =	vld [tilespmem:$0x300];
	_ =	sdelay $0x4  }
0x235: {  	v48 =	vshll.u32 v3, $0x1  }
0x236: {  	v3 =	vand.u32 $0x7, v3;
	v4 =	vand.u32 $0xFFFFFFF0, v48  }
0x237: {  	v3 =	vor.u32 v3, v4  }
0x238: {  	v4 =	vperm.xlane v3, v0;
	_ =	sdelay $0x1  }
0x239: {  	v3 =	vperm.xlane v3, v2;
	v4 =	vadd.s32 v1, v4;
	_ =	sdelay $0x1  }
0x23a: {  	v3 =	vadd.s32 v1, v3;
	_ =	sdelay $0x2  }
0x23b: {  	[tilespmem:s28], [sflag:$0x1] =	stream.indirect_vreg.gather [hbm4b:s2+s3], $0x80, v4, vm0, $0xb8;
	[tilespmem:$0x18400] =	vst v63  }
0x23c: {  	s19 =	simm.s32 $0xC00  }
0x23d: {  	[tilespmem:s19], [sflag:$0x1] =	stream.indirect_vreg.gather [hbm4b:s2+s3], $0x80, v3, vm0, $0xb8;
	[tilespmem:$0x18400] =	vst v63  }
0x23e: {  	v3 =	vld [tilespmem:$0x310];
	_ =	sdelay $0x4  }
0x23f: {  	v49 =	vshll.u32 v3, $0x1  }
0x240: {  	v3 =	vand.u32 $0x7, v3;
	v4 =	vand.u32 $0xFFFFFFF0, v49  }
0x241: {  	v3 =	vor.u32 v3, v4  }
0x242: {  	v4 =	vperm.xlane v3, v0;
	_ =	sdelay $0x1  }
0x243: {  	v3 =	vperm.xlane v3, v2;
	v4 =	vadd.s32 v1, v4;
	_ =	sdelay $0x1  }
0x244: {  	v3 =	vadd.s32 v1, v3;
	_ =	sdelay $0x1  }
0x245: {  	s19 =	simm.s32 $0x1400  }
0x246: {  	[tilespmem:s19], [sflag:$0x1] =	stream.indirect_vreg.gather [hbm4b:s2+s3], $0x80, v4, vm0, $0xb8;
	[tilespmem:$0x18400] =	vst v63  }
0x247: {  	s19 =	simm.s32 $0x1C00  }
0x248: {  	[tilespmem:s19], [sflag:$0x1] =	stream.indirect_vreg.gather [hbm4b:s2+s3], $0x80, v3, vm0, $0xb8;
	[tilespmem:$0x18400] =	vst v63  }
0x249: {  	v3 =	vld [tilespmem:$0x320];
	_ =	sdelay $0x4  }
0x24a: {  	v50 =	vshll.u32 v3, $0x1  }
0x24b: {  	v3 =	vand.u32 $0x7, v3;
	v4 =	vand.u32 $0xFFFFFFF0, v50  }
0x24c: {  	v3 =	vor.u32 v3, v4  }
0x24d: {  	v4 =	vperm.xlane v3, v0;
	_ =	sdelay $0x1  }
0x24e: {  	v3 =	vperm.xlane v3, v2;
	v4 =	vadd.s32 v1, v4;
	_ =	sdelay $0x1  }
0x24f: {  	v3 =	vadd.s32 v1, v3;
	_ =	sdelay $0x1  }
0x250: {  	s19 =	simm.s32 $0x2400  }
0x251: {  	[tilespmem:s19], [sflag:$0x1] =	stream.indirect_vreg.gather [hbm4b:s2+s3], $0x80, v4, vm0, $0xb8;
	[tilespmem:$0x18400] =	vst v63  }
0x252: {  	s19 =	simm.s32 $0x2C00  }
0x253: {  	[tilespmem:s19], [sflag:$0x1] =	stream.indirect_vreg.gather [hbm4b:s2+s3], $0x80, v3, vm0, $0xb8;
	[tilespmem:$0x18400] =	vst v63  }
0x254: {  	v3 =	vld [tilespmem:$0x330];
	_ =	sdelay $0x4  }
0x255: {  	v51 =	vshll.u32 v3, $0x1  }
0x256: {  	v3 =	vand.u32 $0x7, v3;
	v4 =	vand.u32 $0xFFFFFFF0, v51  }
0x257: {  	v3 =	vor.u32 v3, v4  }
0x258: {  	v4 =	vperm.xlane v3, v0;
	_ =	sdelay $0x1  }
0x259: {  	v3 =	vperm.xlane v3, v2;
	v4 =	vadd.s32 v1, v4;
	_ =	sdelay $0x1  }
0x25a: {  	v3 =	vadd.s32 v1, v3;
	_ =	sdelay $0x1  }
0x25b: {  	s19 =	simm.s32 $0x3400  }
0x25c: {  	[tilespmem:s19], [sflag:$0x1] =	stream.indirect_vreg.gather [hbm4b:s2+s3], $0x80, v4, vm0, $0xb8;
	[tilespmem:$0x18400] =	vst v63  }
0x25d: {  	s19 =	simm.s32 $0x3C00  }
0x25e: {  	[tilespmem:s19], [sflag:$0x1] =	stream.indirect_vreg.gather [hbm4b:s2+s3], $0x80, v3, vm0, $0xb8;
	[tilespmem:$0x18400] =	vst v63  }
0x25f: {  	v3 =	vld [tilespmem:$0x340];
	_ =	sdelay $0x4  }
0x260: {  	v52 =	vshll.u32 v3, $0x1  }
0x261: {  	v3 =	vand.u32 $0x7, v3;
	v4 =	vand.u32 $0xFFFFFFF0, v52  }
0x262: {  	v3 =	vor.u32 v3, v4  }
0x263: {  	v4 =	vperm.xlane v3, v0;
	_ =	sdelay $0x1  }
0x264: {  	v3 =	vperm.xlane v3, v2;
	v4 =	vadd.s32 v1, v4;
	_ =	sdelay $0x1  }
0x265: {  	v3 =	vadd.s32 v1, v3;
	_ =	sdelay $0x2  }
0x266: {  	[tilespmem:s29], [sflag:$0x1] =	stream.indirect_vreg.gather [hbm4b:s2+s3], $0x80, v4, vm0, $0xb8;
	[tilespmem:$0x18400] =	vst v63  }
0x267: {  	_ = 	snop  }
0x268: {  	[tilespmem:s30], [sflag:$0x1] =	stream.indirect_vreg.gather [hbm4b:s2+s3], $0x80, v3, vm0, $0xb8;
	[tilespmem:$0x18400] =	vst v63  }
0x269: {  	v3 =	vld [tilespmem:$0x350];
	_ =	sdelay $0x4  }
0x26a: {  	v53 =	vshll.u32 v3, $0x1  }
0x26b: {  	v3 =	vand.u32 $0x7, v3;
	v4 =	vand.u32 $0xFFFFFFF0, v53  }
0x26c: {  	v3 =	vor.u32 v3, v4  }
0x26d: {  	v4 =	vperm.xlane v3, v0;
	_ =	sdelay $0x1  }
0x26e: {  	v3 =	vperm.xlane v3, v2;
	v4 =	vadd.s32 v1, v4;
	_ =	sdelay $0x1  }
0x26f: {  	v3 =	vadd.s32 v1, v3;
	_ =	sdelay $0x2  }
0x270: {  	[tilespmem:s31], [sflag:$0x1] =	stream.indirect_vreg.gather [hbm4b:s2+s3], $0x80, v4, vm0, $0xb8;
	[tilespmem:$0x18400] =	vst v63  }
0x271: {  	s19 =	simm.s32 $0x5C00  }
0x272: {  	[tilespmem:s19], [sflag:$0x1] =	stream.indirect_vreg.gather [hbm4b:s2+s3], $0x80, v3, vm0, $0xb8;
	[tilespmem:$0x18400] =	vst v63  }
0x273: {  	v3 =	vld [tilespmem:$0x360];
	_ =	sdelay $0x4  }
0x274: {  	v54 =	vshll.u32 v3, $0x1  }
0x275: {  	v3 =	vand.u32 $0x7, v3;
	v4 =	vand.u32 $0xFFFFFFF0, v54  }
0x276: {  	v3 =	vor.u32 v3, v4  }
0x277: {  	v4 =	vperm.xlane v3, v0;
	_ =	sdelay $0x1  }
0x278: {  	v3 =	vperm.xlane v3, v2;
	v4 =	vadd.s32 v1, v4;
	_ =	sdelay $0x1  }
0x279: {  	v3 =	vadd.s32 v1, v3;
	_ =	sdelay $0x1  }
0x27a: {  	s19 =	simm.s32 $0x6400  }
0x27b: {  	[tilespmem:s19], [sflag:$0x1] =	stream.indirect_vreg.gather [hbm4b:s2+s3], $0x80, v4, vm0, $0xb8;
	[tilespmem:$0x18400] =	vst v63  }
0x27c: {  	s19 =	simm.s32 $0x6C00  }
0x27d: {  	[tilespmem:s19], [sflag:$0x1] =	stream.indirect_vreg.gather [hbm4b:s2+s3], $0x80, v3, vm0, $0xb8;
	[tilespmem:$0x18400] =	vst v63  }
0x27e: {  	v3 =	vld [tilespmem:$0x370];
	_ =	sdelay $0x4  }
0x27f: {  	v55 =	vshll.u32 v3, $0x1  }
0x280: {  	v3 =	vand.u32 $0x7, v3;
	v4 =	vand.u32 $0xFFFFFFF0, v55  }
0x281: {  	v3 =	vor.u32 v3, v4  }
0x282: {  	v4 =	vperm.xlane v3, v0;
	_ =	sdelay $0x1  }
0x283: {  	v3 =	vperm.xlane v3, v2;
	v4 =	vadd.s32 v1, v4;
	_ =	sdelay $0x1  }
0x284: {  	v3 =	vadd.s32 v1, v3;
	_ =	sdelay $0x1  }
0x285: {  	s19 =	simm.s32 $0x7400  }
0x286: {  	[tilespmem:s19], [sflag:$0x1] =	stream.indirect_vreg.gather [hbm4b:s2+s3], $0x80, v4, vm0, $0xb8;
	[tilespmem:$0x18400] =	vst v63  }
0x287: {  	s19 =	simm.s32 $0x7C00  }
0x288: {  	[tilespmem:s19], [sflag:$0x1] =	stream.indirect_vreg.gather [hbm4b:s2+s3], $0x80, v3, vm0, $0xb8;
	[tilespmem:$0x18400] =	vst v63  }
0x289: {  	_ =	swait.ge [sflag:s16], $0x8000  }
0x28a: {  	[sflag:s16] =	ssyncset.done $0x0  }
0x28b: {  	s1 =	rddreg [dreg:$0x9];
	[sflag:s16] =	ssyncadd.s32 $0xFFFF8000  }
0x28c: {  	[hbm4b:s1+s3] =	stream.linear.scatter [tilespmem:s0], [sflag:$0x6], $0x8000, $0x38;
	[tilespmem:$0x18400] =	vst v63  }
0x28d: {  	_ =	swait.ge [sflag:s17], $0x8000  }
0x28e: {  	[sflag:s17] =	ssyncset.done $0x0  }
0x28f: {  	[sflag:s17] =	ssyncadd.s32 $0xFFFF8000  }
0x290: {  	v3 =	vld [tilespmem:$0x380];
	_ =	sdelay $0x4  }
0x291: {  	v56 =	vshll.u32 v3, $0x1  }
0x292: {  	v3 =	vand.u32 $0x7, v3;
	v4 =	vand.u32 $0xFFFFFFF0, v56  }
0x293: {  	v3 =	vor.u32 v3, v4  }
0x294: {  	v4 =	vperm.xlane v3, v0;
	_ =	sdelay $0x1  }
0x295: {  	v3 =	vperm.xlane v3, v2;
	v4 =	vadd.s32 v1, v4;
	_ =	sdelay $0x1  }
0x296: {  	v3 =	vadd.s32 v1, v3;
	_ =	sdelay $0x2  }
0x297: {  	[tilespmem:s23], [sflag:$0x2] =	stream.indirect_vreg.gather [hbm4b:s2+s3], $0x80, v4, vm0, $0xb8;
	[tilespmem:$0x18400] =	vst v63  }
0x298: {  	s19 =	simm.s32 $0x8C00  }
0x299: {  	[tilespmem:s19], [sflag:$0x2] =	stream.indirect_vreg.gather [hbm4b:s2+s3], $0x80, v3, vm0, $0xb8;
	[tilespmem:$0x18400] =	vst v63  }
0x29a: {  	v3 =	vld [tilespmem:$0x390];
	_ =	sdelay $0x4  }
0x29b: {  	v57 =	vshll.u32 v3, $0x1  }
0x29c: {  	v3 =	vand.u32 $0x7, v3;
	v4 =	vand.u32 $0xFFFFFFF0, v57  }
0x29d: {  	v3 =	vor.u32 v3, v4  }
0x29e: {  	v4 =	vperm.xlane v3, v0;
	_ =	sdelay $0x1  }
0x29f: {  	v3 =	vperm.xlane v3, v2;
	v4 =	vadd.s32 v1, v4;
	_ =	sdelay $0x1  }
0x2a0: {  	v3 =	vadd.s32 v1, v3;
	_ =	sdelay $0x1  }
0x2a1: {  	s1 =	simm.s32 $0x9400  }
0x2a2: {  	[tilespmem:s1], [sflag:$0x2] =	stream.indirect_vreg.gather [hbm4b:s2+s3], $0x80, v4, vm0, $0xb8;
	[tilespmem:$0x18400] =	vst v63  }
0x2a3: {  	s19 =	simm.s32 $0x9C00  }
0x2a4: {  	[tilespmem:s19], [sflag:$0x2] =	stream.indirect_vreg.gather [hbm4b:s2+s3], $0x80, v3, vm0, $0xb8;
	[tilespmem:$0x18400] =	vst v63  }
0x2a5: {  	v3 =	vld [tilespmem:$0x3A0];
	_ =	sdelay $0x4  }
0x2a6: {  	v58 =	vshll.u32 v3, $0x1  }
0x2a7: {  	v3 =	vand.u32 $0x7, v3;
	v4 =	vand.u32 $0xFFFFFFF0, v58  }
0x2a8: {  	v3 =	vor.u32 v3, v4  }
0x2a9: {  	v4 =	vperm.xlane v3, v0;
	_ =	sdelay $0x1  }
0x2aa: {  	v3 =	vperm.xlane v3, v2;
	v4 =	vadd.s32 v1, v4;
	_ =	sdelay $0x1  }
0x2ab: {  	v3 =	vadd.s32 v1, v3;
	_ =	sdelay $0x1  }
0x2ac: {  	s1 =	simm.s32 $0xA400  }
0x2ad: {  	[tilespmem:s1], [sflag:$0x2] =	stream.indirect_vreg.gather [hbm4b:s2+s3], $0x80, v4, vm0, $0xb8;
	[tilespmem:$0x18400] =	vst v63  }
0x2ae: {  	s19 =	simm.s32 $0xAC00  }
0x2af: {  	[tilespmem:s19], [sflag:$0x2] =	stream.indirect_vreg.gather [hbm4b:s2+s3], $0x80, v3, vm0, $0xb8;
	[tilespmem:$0x18400] =	vst v63  }
0x2b0: {  	v3 =	vld [tilespmem:$0x3B0];
	_ =	sdelay $0x4  }
0x2b1: {  	v59 =	vshll.u32 v3, $0x1  }
0x2b2: {  	v3 =	vand.u32 $0x7, v3;
	v4 =	vand.u32 $0xFFFFFFF0, v59  }
0x2b3: {  	v3 =	vor.u32 v3, v4  }
0x2b4: {  	v4 =	vperm.xlane v3, v0;
	_ =	sdelay $0x1  }
0x2b5: {  	v3 =	vperm.xlane v3, v2;
	v4 =	vadd.s32 v1, v4;
	_ =	sdelay $0x1  }
0x2b6: {  	v3 =	vadd.s32 v1, v3;
	_ =	sdelay $0x1  }
0x2b7: {  	s1 =	simm.s32 $0xB400  }
0x2b8: {  	[tilespmem:s1], [sflag:$0x2] =	stream.indirect_vreg.gather [hbm4b:s2+s3], $0x80, v4, vm0, $0xb8;
	[tilespmem:$0x18400] =	vst v63  }
0x2b9: {  	s19 =	simm.s32 $0xBC00  }
0x2ba: {  	[tilespmem:s19], [sflag:$0x2] =	stream.indirect_vreg.gather [hbm4b:s2+s3], $0x80, v3, vm0, $0xb8;
	[tilespmem:$0x18400] =	vst v63  }
0x2bb: {  	v3 =	vld [tilespmem:$0x3C0];
	_ =	sdelay $0x4  }
0x2bc: {  	v60 =	vshll.u32 v3, $0x1  }
0x2bd: {  	v3 =	vand.u32 $0x7, v3;
	v4 =	vand.u32 $0xFFFFFFF0, v60  }
0x2be: {  	v3 =	vor.u32 v3, v4  }
0x2bf: {  	v4 =	vperm.xlane v3, v0;
	_ =	sdelay $0x1  }
0x2c0: {  	v3 =	vperm.xlane v3, v2;
	v4 =	vadd.s32 v1, v4;
	_ =	sdelay $0x1  }
0x2c1: {  	v3 =	vadd.s32 v1, v3;
	_ =	sdelay $0x1  }
0x2c2: {  	s1 =	simm.s32 $0xC400  }
0x2c3: {  	[tilespmem:s1], [sflag:$0x2] =	stream.indirect_vreg.gather [hbm4b:s2+s3], $0x80, v4, vm0, $0xb8;
	[tilespmem:$0x18400] =	vst v63  }
0x2c4: {  	s19 =	simm.s32 $0xCC00  }
0x2c5: {  	[tilespmem:s19], [sflag:$0x2] =	stream.indirect_vreg.gather [hbm4b:s2+s3], $0x80, v3, vm0, $0xb8;
	[tilespmem:$0x18400] =	vst v63  }
0x2c6: {  	v3 =	vld [tilespmem:$0x3D0];
	_ =	sdelay $0x4  }
0x2c7: {  	v61 =	vshll.u32 v3, $0x1  }
0x2c8: {  	v3 =	vand.u32 $0x7, v3;
	v4 =	vand.u32 $0xFFFFFFF0, v61  }
0x2c9: {  	v3 =	vor.u32 v3, v4  }
0x2ca: {  	v4 =	vperm.xlane v3, v0;
	_ =	sdelay $0x1  }
0x2cb: {  	v3 =	vperm.xlane v3, v2;
	v4 =	vadd.s32 v1, v4;
	_ =	sdelay $0x1  }
0x2cc: {  	v3 =	vadd.s32 v1, v3;
	_ =	sdelay $0x1  }
0x2cd: {  	s1 =	simm.s32 $0xD400  }
0x2ce: {  	[tilespmem:s1], [sflag:$0x2] =	stream.indirect_vreg.gather [hbm4b:s2+s3], $0x80, v4, vm0, $0xb8;
	[tilespmem:$0x18400] =	vst v63  }
0x2cf: {  	s19 =	simm.s32 $0xDC00  }
0x2d0: {  	[tilespmem:s19], [sflag:$0x2] =	stream.indirect_vreg.gather [hbm4b:s2+s3], $0x80, v3, vm0, $0xb8;
	[tilespmem:$0x18400] =	vst v63  }
0x2d1: {  	v3 =	vld [tilespmem:$0x3E0];
	_ =	sdelay $0x4  }
0x2d2: {  	v62 =	vshll.u32 v3, $0x1  }
0x2d3: {  	v3 =	vand.u32 $0x7, v3;
	v4 =	vand.u32 $0xFFFFFFF0, v62  }
0x2d4: {  	v3 =	vor.u32 v3, v4  }
0x2d5: {  	v4 =	vperm.xlane v3, v0;
	_ =	sdelay $0x1  }
0x2d6: {  	v3 =	vperm.xlane v3, v2;
	v4 =	vadd.s32 v1, v4;
	_ =	sdelay $0x1  }
0x2d7: {  	v3 =	vadd.s32 v1, v3;
	_ =	sdelay $0x1  }
0x2d8: {  	s1 =	simm.s32 $0xE400  }
0x2d9: {  	[tilespmem:s1], [sflag:$0x2] =	stream.indirect_vreg.gather [hbm4b:s2+s3], $0x80, v4, vm0, $0xb8;
	[tilespmem:$0x18400] =	vst v63  }
0x2da: {  	s19 =	simm.s32 $0xEC00  }
0x2db: {  	[tilespmem:s19], [sflag:$0x2] =	stream.indirect_vreg.gather [hbm4b:s2+s3], $0x80, v3, vm0, $0xb8;
	[tilespmem:$0x18400] =	vst v63  }
0x2dc: {  	v3 =	vld [tilespmem:$0x3F0];
	_ =	sdelay $0x4  }
0x2dd: {  	v63 =	vshll.u32 v3, $0x1  }
0x2de: {  	v3 =	vand.u32 $0x7, v3;
	v4 =	vand.u32 $0xFFFFFFF0, v63  }
0x2df: {  	v3 =	vor.u32 v3, v4  }
0x2e0: {  	v4 =	vperm.xlane v3, v0;
	_ =	sdelay $0x1  }
0x2e1: {  	v3 =	vperm.xlane v3, v2;
	v4 =	vadd.s32 v1, v4;
	_ =	sdelay $0x1  }
0x2e2: {  	v3 =	vadd.s32 v1, v3;
	_ =	sdelay $0x1  }
0x2e3: {  	s1 =	simm.s32 $0xF400  }
0x2e4: {  	[tilespmem:s1], [sflag:$0x2] =	stream.indirect_vreg.gather [hbm4b:s2+s3], $0x80, v4, vm0, $0xb8;
	[tilespmem:$0x18400] =	vst v63  }
0x2e5: {  	s19 =	simm.s32 $0xFC00  }
0x2e6: {  	[tilespmem:s19], [sflag:$0x2] =	stream.indirect_vreg.gather [hbm4b:s2+s3], $0x80, v3, vm0, $0xb8;
	[tilespmem:$0x18400] =	vst v63  }
0x2e7: {  	_ =	swait.ge [sflag:s12], $0x8000  }
0x2e8: {  	[sflag:s12] =	ssyncset.done $0x0  }
0x2e9: {  	s0 =	rddreg [dreg:$0xa];
	[sflag:s12] =	ssyncadd.s32 $0xFFFF8000  }
0x2ea: {  	[hbm4b:s0+s3] =	stream.linear.scatter [tilespmem:s28], [sflag:$0x4], $0x8000, $0x38;
	[tilespmem:$0x18400] =	vst v63  }
0x2eb: {  	_ =	swait.ge [sflag:s14], $0x8000  }
0x2ec: {  	[sflag:s14] =	ssyncset.done $0x0  }
0x2ed: {  	s1 =	rddreg [dreg:$0xb];
	[sflag:s14] =	ssyncadd.s32 $0xFFFF8000  }
0x2ee: {  	[hbm4b:s1+s3] =	stream.linear.scatter [tilespmem:s23], [sflag:$0x5], $0x8000, $0x38;
	[tilespmem:$0x18400] =	vst v63  }
0x2ef: {  	_ =	swait.ge [sflag:s15], $0x8000  }
0x2f0: {  	[sflag:s15] =	ssyncset.done $0x0  }
0x2f1: {  	[sflag:s15] =	ssyncadd.s32 $0xFFFF8000  }
0x2f2: {  	p0 =	sne.s32 s5, $0x1;
	_ =	swait.ge [sflag:s17], $0x8000  }
.Ltmp0:
0x2f3: {  	[sflag:s17] =	ssyncset.done $0x0;
	(pc) =	sbr.rel @p0 .LBB2_1-.Ltmp0, $4  }
0x2f4: {  	[sflag:s17] =	ssyncadd.s32 $0xFFFF8000  }
0x2f5: {  	_ =	swait.ge [sflag:s18], $0x8000  }
0x2f6: {  	[sflag:s18] =	ssyncset.done $0x0  }
0x2f7: {  	s5 =	sadd.s32 $0xFFFFFFFF, s5;
	[sflag:s18] =	ssyncadd.s32 $0xFFFF8000  }
0x2f8: {  	_ =	sfence.sel $0x180000  }
0x2f9: {  	[bflag:$0x0] =	sbarrier.arrive $0xFFFF  }
0x2fa: {  	_ =	strace $0x90000047  }
0x2fb: {  	s0 =	stileid.u32;
	[bflag:$0x2] =	sbarrier.arrive $0xFFFF  }
0x2fc: {  	p0 =	sne.s32 s0, $0x0;
	s0 =	rddreg [dreg:$0x3]  }
0x2fd: {  	s0 =	sadd.s32 @!p0 $0x100000, s0  }
0x2fe: {  	[sflag:s0] =	ssyncadd.tile.s32 @!p0 $0x1;
	_ =	shalt  }
.Lfunc_end2:
_tile_overlayer_lowered:
.L_overlay_start_2:
0x2ff: {  	(tag) =	ssettag $0x2  }
0x300: {  	s0 =	rddreg [dreg:$0x0];
	s2 =	stileid.u32  }
0x301: {  	s1 =	rddreg [dreg:$0x1];
	p0 =	sne.s32 s2, $0x0  }
0x302: {  	s3 =	rddreg [dreg:$0x2];
	[bflag:$0x3] =	sbarrier.arrive $0xFFFF;
	s2 =	simm.s32 @!p0 $0x1C07  }
0x303: {  	[timem:s3], [sflag:s2] =	dma.local @!p0 [hbm:s0], s1  }
0x304: {  	s0 =	simm.s32 @!p0 $0x7  }
0x305: {  	_ =	swait.ge @!p0 [sflag:s0], s1  }
0x306: {  	s1 =	ssub.s32 @!p0 $0x0, s1;
	[sflag:s0] =	ssyncset.done @!p0 $0x0  }
0x307: {  	[sflag:s0] =	ssyncadd.s32 @!p0 s1  }
0x308: {  	[bflag:$0x3] =	sbarrier.arrive $0xFFFF  }
0x309: {  	_ =	shalt  }

</sc_bundles>
